<compile_context>
chip_gen: v7x
topology: tpu7x:2x2x1
jax: 0.10.2.dev20260603
libtpu: 0.0.44.dev20260713+nightly
codegen_flags: <defaults>
</compile_context>

<pallas_src>
import functools

import jax
import jax.numpy as jnp
from jax import lax
from jax.experimental import pallas as pl
from jax.experimental.pallas import tpu as pltpu
from jax.experimental.pallas import tpu_sc as plsc

N_NODES = 10000
N_EDGES = 320000
D = 128
DH = D // 2
N_GRAPHS = 64
N_CLASSES = 10

NC = 2
NS = 16
CHUNK = 128
CPT = 160
E_PAD = NS * CPT * CHUNK
NPAD = N_NODES + 112
RPT = NPAD // NS
ROWBLK = 1000
NBLK = N_NODES // ROWBLK


def _mesh():
    return plsc.VectorSubcoreMesh(core_axis_name="c", subcore_axis_name="s")


def _zero_rows(ref, nrows, ncols):
    @pl.loop(0, nrows)
    def _(r):
        @pl.loop(0, ncols // 16)
        def _(j):
            ref[r, pl.ds(j * 16, 16)] = jnp.zeros((16,), jnp.float32)


def _sc_degree(dst3):

    @functools.partial(
        pl.kernel,
        out_type=jax.ShapeDtypeStruct((NC, NPAD, 16), jnp.float32),
        mesh=_mesh(),
        compiler_params=pltpu.CompilerParams(use_tc_tiling_on_sc=False),
        scratch_types=[
            pltpu.VMEM((CPT // 2, CHUNK), jnp.int32),
            pltpu.VMEM((CHUNK, 16), jnp.float32),
            pltpu.VMEM((CHUNK, 16), jnp.float32),
            pltpu.VMEM_SHARED((NPAD, 16), jnp.float32),
            pltpu.SemaphoreType.DMA,
        ],
    )
    def k(dst_hbm, out_hbm, dst_v, ones_v, zero_v, acc_sh, semd):
        cid = lax.axis_index("c")
        sid = lax.axis_index("s")
        wid = cid * NS + sid

        @pl.loop(0, CHUNK)
        def _(r):
            ones_v[r, pl.ds(0, 16)] = jnp.ones((16,), jnp.float32)
            zero_v[r, pl.ds(0, 16)] = jnp.zeros((16,), jnp.float32)

        @pl.loop(0, 4)
        def _(t):
            pltpu.sync_copy(zero_v, acc_sh.at[pl.ds(sid * RPT + t * CHUNK, CHUNK)])
        pltpu.sync_copy(zero_v.at[pl.ds(0, RPT - 4 * CHUNK)],
                        acc_sh.at[pl.ds(sid * RPT + 4 * CHUNK, RPT - 4 * CHUNK)])
        plsc.subcore_barrier()

        pltpu.sync_copy(dst_hbm.at[wid], dst_v)

        @pl.loop(0, CPT // 2)
        def _(c):
            pltpu.async_copy(ones_v, acc_sh.at[dst_v.at[c]], semd, add=True)

        @pl.loop(0, CPT // 2)
        def _(c):
            pltpu.make_async_copy(ones_v, acc_sh.at[dst_v.at[0]], semd).wait()

        plsc.subcore_barrier()
        pltpu.sync_copy(acc_sh.at[pl.ds(sid * RPT, RPT)],
                        out_hbm.at[cid].at[pl.ds(sid * RPT, RPT)])

    return k(dst3)


def _sc_aggregate(gsplit, src3, dst3):

    @functools.partial(
        pl.kernel,
        out_type=jax.ShapeDtypeStruct((NC, NPAD, DH), jnp.float32),
        mesh=_mesh(),
        compiler_params=pltpu.CompilerParams(use_tc_tiling_on_sc=False),
        scratch_types=[
            pltpu.VMEM((CPT, CHUNK), jnp.int32),
            pltpu.VMEM((CPT, CHUNK), jnp.int32),
            pltpu.VMEM((CHUNK, DH), jnp.float32),
            pltpu.VMEM((CHUNK, DH), jnp.float32),
            pltpu.VMEM((CHUNK, DH), jnp.float32),
            pltpu.VMEM((CHUNK, DH), jnp.float32),
            pltpu.VMEM((CHUNK, DH), jnp.float32),
            pltpu.VMEM_SHARED((NPAD, DH), jnp.float32),
            pltpu.SemaphoreType.DMA,
            pltpu.SemaphoreType.DMA,
            pltpu.SemaphoreType.DMA,
            pltpu.SemaphoreType.DMA,
            pltpu.SemaphoreType.DMA,
            pltpu.SemaphoreType.DMA,
            pltpu.SemaphoreType.DMA,
            pltpu.SemaphoreType.DMA,
        ],
    )
    def k(g_hbm, src_hbm, dst_hbm, out_hbm, src_v, dst_v, rows0, rows1,
          rows2, rows3, zero_v, acc_sh, ga, gb, gc, gd, sa, sb, sc_, sd):
        cid = lax.axis_index("c")
        sid = lax.axis_index("s")

        pltpu.sync_copy(src_hbm.at[sid], src_v)
        pltpu.sync_copy(dst_hbm.at[sid], dst_v)

        _zero_rows(zero_v, CHUNK, DH)

        @pl.loop(0, 4)
        def _(t):
            pltpu.sync_copy(zero_v, acc_sh.at[pl.ds(sid * RPT + t * CHUNK, CHUNK)])
        pltpu.sync_copy(zero_v.at[pl.ds(0, RPT - 4 * CHUNK)],
                        acc_sh.at[pl.ds(sid * RPT + 4 * CHUNK, RPT - 4 * CHUNK)])
        plsc.subcore_barrier()

        gsrc = g_hbm.at[cid]
        rows = [rows0, rows1, rows2, rows3]
        semg = [ga, gb, gc, gd]
        sems = [sa, sb, sc_, sd]
        pltpu.async_copy(gsrc.at[src_v.at[0]], rows[0], semg[0])
        pltpu.async_copy(gsrc.at[src_v.at[1]], rows[1], semg[1])
        nq = CPT // 4

        @pl.loop(0, nq)
        def _(q):
            for j in range(4):
                c = 4 * q + j
                j2 = (j + 2) % 4
                pltpu.make_async_copy(gsrc.at[src_v.at[0]], rows[j],
                                      semg[j]).wait()
                pltpu.async_copy(rows[j], acc_sh.at[dst_v.at[c]],
                                 sems[j], add=True)
                if j < 2:
                    @pl.when(q > 0)
                    def _():
                        pltpu.make_async_copy(rows[j2], acc_sh.at[dst_v.at[0]],
                                              sems[j2]).wait()
                    pltpu.async_copy(gsrc.at[src_v.at[c + 2]], rows[j2],
                                     semg[j2])
                else:
                    pltpu.make_async_copy(rows[j2], acc_sh.at[dst_v.at[0]],
                                          sems[j2]).wait()

                    @pl.when(q < nq - 1)
                    def _():
                        pltpu.async_copy(gsrc.at[src_v.at[c + 2]], rows[j2],
                                         semg[j2])

        for j in (2, 3):
            pltpu.make_async_copy(rows[j], acc_sh.at[dst_v.at[0]],
                                  sems[j]).wait()

        plsc.subcore_barrier()
        pltpu.sync_copy(acc_sh.at[pl.ds(sid * RPT, RPT)],
                        out_hbm.at[cid].at[pl.ds(sid * RPT, RPT)])

    return k(gsplit, src3, dst3)


_DOT = (((1,), (0,)), ((), ()))


def _dinv_of(d_ref):
    dd = d_ref[...]
    return lax.rsqrt(dd[0, :, 0:1] + dd[1, :, 0:1] + 1.0)


def _acc_full(a_ref, g_ref):
    aa = a_ref[...]
    gg = g_ref[...]
    return jnp.concatenate([aa[0] + gg[0], aa[1] + gg[1]], axis=-1)


def _tc_layer1(x, deg2, W1):
    def body(x_ref, d_ref, w_ref, g_ref):
        dinv = _dinv_of(d_ref)
        h = lax.dot_general(x_ref[...], w_ref[...], _DOT,
                            precision=lax.Precision.HIGHEST)
        g = h * dinv
        g_ref[...] = jnp.stack([g[:, :DH], g[:, DH:]])

    return pl.pallas_call(
        body,
        grid=(NBLK,),
        in_specs=[
            pl.BlockSpec((ROWBLK, D), lambda i: (i, 0)),
            pl.BlockSpec((NC, ROWBLK, 16), lambda i: (0, i, 0)),
            pl.BlockSpec((D, D), lambda i: (0, 0)),
        ],
        out_specs=pl.BlockSpec((NC, ROWBLK, DH), lambda i: (0, i, 0)),
        out_shape=jax.ShapeDtypeStruct((NC, N_NODES, DH), jnp.float32),
    )(x, deg2, W1)


def _tc_layer2(acc, g1, deg2, b1, W2):
    def body(a_ref, g_ref, d_ref, b_ref, w_ref, o_ref):
        dinv = _dinv_of(d_ref)
        z = dinv * _acc_full(a_ref, g_ref) + b_ref[...]
        h = jnp.maximum(z, 0.0)
        h2 = lax.dot_general(h, w_ref[...], _DOT,
                             precision=lax.Precision.HIGHEST)
        g = h2 * dinv
        o_ref[...] = jnp.stack([g[:, :DH], g[:, DH:]])

    return pl.pallas_call(
        body,
        grid=(NBLK,),
        in_specs=[
            pl.BlockSpec((NC, ROWBLK, DH), lambda i: (0, i, 0)),
            pl.BlockSpec((NC, ROWBLK, DH), lambda i: (0, i, 0)),
            pl.BlockSpec((NC, ROWBLK, 16), lambda i: (0, i, 0)),
            pl.BlockSpec((1, D), lambda i: (0, 0)),
            pl.BlockSpec((D, D), lambda i: (0, 0)),
        ],
        out_specs=pl.BlockSpec((NC, ROWBLK, DH), lambda i: (0, i, 0)),
        out_shape=jax.ShapeDtypeStruct((NC, N_NODES, DH), jnp.float32),
    )(acc, g1, deg2, b1, W2)


def _tc_final(acc, g2, deg2, b2, batf, wl, bl):
    def body(a_ref, g_ref, d_ref, b_ref, bat_ref, wl_ref,
             bl_ref, o_ref, pool_ref):
        i = pl.program_id(0)
        dinv = _dinv_of(d_ref)
        z = dinv * _acc_full(a_ref, g_ref) + b_ref[...]
        h = jnp.maximum(z, 0.0)
        bvec = jnp.reshape(bat_ref[0, 0, :], (1, ROWBLK))
        gids = lax.broadcasted_iota(jnp.int32, (N_GRAPHS, ROWBLK), 0)
        m = (bvec == gids).astype(jnp.float32)
        pm = lax.dot_general(m, h, _DOT, precision=lax.Precision.HIGHEST)

        @pl.when(i == 0)
        def _():
            pool_ref[...] = pm

        @pl.when(i > 0)
        def _():
            pool_ref[...] += pm

        @pl.when(i == NBLK - 1)
        def _():
            o_ref[...] = lax.dot_general(pool_ref[...], wl_ref[...], _DOT,
                                         precision=lax.Precision.HIGHEST) + bl_ref[...]

    return pl.pallas_call(
        body,
        grid=(NBLK,),
        in_specs=[
            pl.BlockSpec((NC, ROWBLK, DH), lambda i: (0, i, 0)),
            pl.BlockSpec((NC, ROWBLK, DH), lambda i: (0, i, 0)),
            pl.BlockSpec((NC, ROWBLK, 16), lambda i: (0, i, 0)),
            pl.BlockSpec((1, D), lambda i: (0, 0)),
            pl.BlockSpec((1, 1, ROWBLK), lambda i: (i, 0, 0)),
            pl.BlockSpec((D, D), lambda i: (0, 0)),
            pl.BlockSpec((1, D), lambda i: (0, 0)),
        ],
        out_specs=pl.BlockSpec((N_GRAPHS, D), lambda i: (0, 0)),
        out_shape=jax.ShapeDtypeStruct((N_GRAPHS, D), jnp.float32),
        scratch_shapes=[pltpu.VMEM((N_GRAPHS, D), jnp.float32)],
    )(acc, g2, deg2, b2, batf, wl, bl)


def kernel(x, edge_index, batch, W1, b1, W2, b2, Wlin, blin):
    src = edge_index[0].astype(jnp.int32)
    dst = edge_index[1].astype(jnp.int32)
    pad = E_PAD - N_EDGES
    pad_i = jnp.arange(pad, dtype=jnp.int32)
    src_p = jnp.concatenate([src, pad_i % N_NODES])
    dst_p = jnp.concatenate([dst, N_NODES + pad_i % (NPAD - N_NODES)])
    src3 = src_p.reshape(NS, CPT, CHUNK)
    dst3 = dst_p.reshape(NS, CPT, CHUNK)
    dst3_32 = dst_p.reshape(NC * NS, CPT // 2, CHUNK)

    deg2 = _sc_degree(dst3_32)

    wl = jnp.zeros((D, D), jnp.float32).at[:, :N_CLASSES].set(Wlin)
    bl = jnp.zeros((1, D), jnp.float32).at[0, :N_CLASSES].set(blin)

    g1 = _tc_layer1(x, deg2, W1)
    acc1 = _sc_aggregate(g1, src3, dst3)
    g2 = _tc_layer2(acc1, g1, deg2, jnp.reshape(b1, (1, D)), W2)
    acc2 = _sc_aggregate(g2, src3, dst3)

    batf = batch.astype(jnp.int32).reshape(NBLK, 1, ROWBLK)
    outp = _tc_final(acc2, g2, deg2, jnp.reshape(b2, (1, D)), batf, wl, bl)
    return outp[:, :N_CLASSES]

# --- scband reference (transcript-rebuilt; emitter-appended) ---
"""Pipeline reference for scband-efficient-gnn-6004364280337 (READ-ONLY COPY).

The authoritative reference and input builder live on the scoring server;
editing this copy changes nothing except your own understanding.
"""

import jax, jax.numpy as jnp
import numpy as np

N_NODES = 10000
N_EDGES = 320000
D_FEAT = 128
HIDDEN = 128
N_CLASSES = 10
N_GRAPHS = 64


def setup_inputs(seed: int = 0) -> dict:
    key = jax.random.key(seed)
    ks = jax.random.split(key, 10)
    x = jax.random.normal(ks[0], (N_NODES, D_FEAT), dtype=jnp.float32)
    edge_index = jax.random.randint(ks[1], (2, N_EDGES), 0, N_NODES, dtype=jnp.int64)
    batch = jnp.sort(jax.random.randint(ks[2], (N_NODES,), 0, N_GRAPHS, dtype=jnp.int64))
    W1 = jax.random.normal(ks[3], (D_FEAT, HIDDEN), dtype=jnp.float32) * (1.0 / np.sqrt(D_FEAT))
    b1 = jnp.zeros((HIDDEN,), dtype=jnp.float32)
    W2 = jax.random.normal(ks[4], (HIDDEN, HIDDEN), dtype=jnp.float32) * (1.0 / np.sqrt(HIDDEN))
    b2 = jnp.zeros((HIDDEN,), dtype=jnp.float32)
    Wlin = jax.random.normal(ks[5], (HIDDEN, N_CLASSES), dtype=jnp.float32) * (1.0 / np.sqrt(HIDDEN))
    blin = jnp.zeros((N_CLASSES,), dtype=jnp.float32)
    return {"x": x, "edge_index": edge_index, "batch": batch,
            "W1": W1, "b1": b1, "W2": W2, "b2": b2, "Wlin": Wlin, "blin": blin}


def gcn_conv(x, edge_index, W, b, num_nodes):
    # PyG GCNConv: x' = D^{-1/2} (A + I) D^{-1/2} (X W) + b
    h = x @ W
    loop = jnp.arange(num_nodes, dtype=edge_index.dtype)
    src = jnp.concatenate([edge_index[0], loop])
    dst = jnp.concatenate([edge_index[1], loop])
    deg = jnp.zeros((num_nodes,), dtype=h.dtype).at[dst].add(1.0)
    dinv = jnp.where(deg > 0, deg ** -0.5, 0.0)
    norm = dinv[src] * dinv[dst]
    msg = h[src] * norm[:, None]
    out = jax.ops.segment_sum(msg, dst, num_segments=num_nodes)
    return out + b


def reference(x, edge_index, batch, W1, b1, W2, b2, Wlin, blin):
    h = jax.nn.relu(gcn_conv(x, edge_index, W1, b1, N_NODES))
    h = jax.nn.relu(gcn_conv(h, edge_index, W2, b2, N_NODES))
    pooled = jax.ops.segment_sum(h, batch, num_segments=N_GRAPHS)
    return pooled @ Wlin + blin

if __name__ == "__main__":
    import jax
    _d = setup_inputs()
    print(jax.jit(kernel)(*tuple(_d.values())))

</pallas_src>

<mosaic_0001>
#map = affine_map<(d0, d1) -> (0, 0, 0)>
module attributes {stable_mosaic.version = 14 : i64} {
  func.func @k(%arg0: i32, %arg1: i32, %arg2: memref<32x80x128xi32, #tpu.memory_space<hbm>>, %arg3: memref<2x10112x16xf32, #tpu.memory_space<hbm>>, %arg4: memref<80x128xi32, #tpu.memory_space<vmem>>, %arg5: memref<128x16xf32, #tpu.memory_space<vmem>>, %arg6: memref<128x16xf32, #tpu.memory_space<vmem>>, %arg7: memref<10112x16xf32, #tpu.memory_space<vmem_shared>>, %arg8: memref<!tpu.dma_semaphore, #tpu.memory_space<semaphore_mem>>) attributes {dimension_semantics = [#tpu.dimension_semantics<core_parallel>, #tpu.dimension_semantics<subcore_parallel>], iteration_bounds = array<i64: 2, 16>, scalar_prefetch = 0 : i64, scratch_operands = 5 : i64, tpu.core_type = #tpu.core_type<sc_vector_subcore>, window_params = [{transform_indices = #map}, {transform_indices = #map}]} {
    %mul3A = arith.constant 16 : i32
    %mul3A_0 = arith.muli %arg0, %mul3A : i32
    %add3A = arith.addi %mul3A_0, %arg1 : i32
    %scan3A = arith.constant 0 : i32
    %scan3A_1 = arith.constant 128 : i32
    %scan3A_2 = arith.addi %scan3A, %scan3A_1 : i32
    %scan3A_3 = arith.constant 1 : i32
    scf.for %scan3A_29 = %scan3A to %scan3A_2 step %scan3A_3  : i32 {
      %mul3A_30 = arith.constant 1 : i32
      %mul3A_31 = arith.muli %scan3A_29, %mul3A_30 : i32
      %add3A_32 = arith.constant 0 : i32
      %add3A_33 = arith.addi %add3A_32, %mul3A_31 : i32
      %broadcast_in_dim3A = arith.constant 1.000000e+00 : f32
      %broadcast_in_dim3A_34 = vector.broadcast %broadcast_in_dim3A : f32 to vector<16xf32>
      %swap3A = arith.index_cast %add3A_33 : i32 to index
      %swap3A_35 = arith.constant 0 : index
      %swap3A_36 = tpu.vector_load %arg5[%swap3A, %swap3A_35] {strides = array<i32>} : memref<128x16xf32, #tpu.memory_space<vmem>>, vector<1x16xf32>,
      %swap3A_37 = vector.shape_cast %swap3A_36 : vector<1x16xf32> to vector<16xf32>
      %swap3A_38 = vector.shape_cast %broadcast_in_dim3A_34 : vector<16xf32> to vector<1x16xf32>
      tpu.vector_store %arg5[%swap3A, %swap3A_35], %swap3A_38 {strides = array<i32>} : memref<128x16xf32, #tpu.memory_space<vmem>>, vector<1x16xf32>,
      %broadcast_in_dim3A_39 = arith.constant 0.000000e+00 : f32
      %broadcast_in_dim3A_40 = vector.broadcast %broadcast_in_dim3A_39 : f32 to vector<16xf32>
      %swap3A_41 = arith.index_cast %add3A_33 : i32 to index
      %swap3A_42 = arith.constant 0 : index
      %swap3A_43 = tpu.vector_load %arg6[%swap3A_41, %swap3A_42] {strides = array<i32>} : memref<128x16xf32, #tpu.memory_space<vmem>>, vector<1x16xf32>,
      %swap3A_44 = vector.shape_cast %swap3A_43 : vector<1x16xf32> to vector<16xf32>
      %swap3A_45 = vector.shape_cast %broadcast_in_dim3A_40 : vector<16xf32> to vector<1x16xf32>
      tpu.vector_store %arg6[%swap3A_41, %swap3A_42], %swap3A_45 {strides = array<i32>} : memref<128x16xf32, #tpu.memory_space<vmem>>, vector<1x16xf32>,
    }
    %scan3A_4 = arith.constant 128 : i32
    %scan3A_5 = arith.constant 0 : i32
    %scan3A_6 = arith.constant 4 : i32
    %scan3A_7 = arith.addi %scan3A_5, %scan3A_6 : i32
    %scan3A_8 = arith.constant 1 : i32
    scf.for %scan3A_29 = %scan3A_5 to %scan3A_7 step %scan3A_8  : i32 {
      %mul3A_30 = arith.constant 1 : i32
      %mul3A_31 = arith.muli %scan3A_29, %mul3A_30 : i32
      %add3A_32 = arith.constant 0 : i32
      %add3A_33 = arith.addi %add3A_32, %mul3A_31 : i32
      %mul3A_34 = arith.constant 632 : i32
      %mul3A_35 = arith.muli %arg1, %mul3A_34 : i32
      %mul3A_36 = arith.constant 128 : i32
      %mul3A_37 = arith.muli %add3A_33, %mul3A_36 : i32
      %add3A_38 = arith.addi %mul3A_35, %mul3A_37 : i32
      "tpu.region"() ({
        %run_scoped3A = tpu.sem_alloc : memref<!tpu.dma_semaphore, #tpu.memory_space<semaphore_mem>>
        %dma_start3A = arith.constant 0 : i32
        %dma_start3A_39 = tpu.memref_slice %arg7[%add3A_38, %dma_start3A] : memref<10112x16xf32, #tpu.memory_space<vmem_shared>> -> memref<128x16xf32, #tpu.memory_space<vmem_shared>>
        %dma_start3A_40 = arith.constant 0 : i32
        %dma_start3A_41 = tpu.memref_slice %arg7[%add3A_38, %dma_start3A_40] : memref<10112x16xf32, #tpu.memory_space<vmem_shared>> -> memref<128x16xf32, #tpu.memory_space<vmem_shared>>
        tpu.enqueue_dma source(%arg6 : memref<128x16xf32, #tpu.memory_space<vmem>>) target(%dma_start3A_41 : memref<128x16xf32, #tpu.memory_space<vmem_shared>>) target_semaphore(%run_scoped3A : memref<!tpu.dma_semaphore, #tpu.memory_space<semaphore_mem>>)
        %dma_wait3A = arith.constant 0 : i32
        %dma_wait3A_42 = tpu.memref_slice %arg7[%add3A_38, %dma_wait3A] : memref<10112x16xf32, #tpu.memory_space<vmem_shared>> -> memref<128x16xf32, #tpu.memory_space<vmem_shared>>
        %dma_wait3A_43 = arith.constant 0 : i32
        %dma_wait3A_44 = tpu.memref_slice %arg7[%add3A_38, %dma_wait3A_43] : memref<10112x16xf32, #tpu.memory_space<vmem_shared>> -> memref<128x16xf32, #tpu.memory_space<vmem_shared>>
        tpu.wait_dma2 semaphore(%run_scoped3A : memref<!tpu.dma_semaphore, #tpu.memory_space<semaphore_mem>>) src(%arg6 : memref<128x16xf32, #tpu.memory_space<vmem>>) dst(%dma_wait3A_44 : memref<128x16xf32, #tpu.memory_space<vmem_shared>>)
        tpu.yield
      }) : () -> ()
    }
    %scan3A_9 = arith.constant 4 : i32
    %mul3A_10 = arith.constant 632 : i32
    %mul3A_11 = arith.muli %arg1, %mul3A_10 : i32
    %add3A_12 = arith.constant 512 : i32
    %add3A_13 = arith.addi %mul3A_11, %add3A_12 : i32
    "tpu.region"() ({
      %run_scoped3A = tpu.sem_alloc : memref<!tpu.dma_semaphore, #tpu.memory_space<semaphore_mem>>
      %dma_start3A = arith.constant 0 : i32
      %dma_start3A_29 = arith.constant 0 : i32
      %dma_start3A_30 = tpu.memref_slice %arg6[%dma_start3A, %dma_start3A_29] : memref<128x16xf32, #tpu.memory_space<vmem>> -> memref<120x16xf32, #tpu.memory_space<vmem>>
      %dma_start3A_31 = arith.constant 0 : i32
      %dma_start3A_32 = tpu.memref_slice %arg7[%add3A_13, %dma_start3A_31] : memref<10112x16xf32, #tpu.memory_space<vmem_shared>> -> memref<120x16xf32, #tpu.memory_space<vmem_shared>>
      %dma_start3A_33 = arith.constant 0 : i32
      %dma_start3A_34 = tpu.memref_slice %arg7[%add3A_13, %dma_start3A_33] : memref<10112x16xf32, #tpu.memory_space<vmem_shared>> -> memref<120x16xf32, #tpu.memory_space<vmem_shared>>
      %dma_start3A_35 = arith.constant 0 : i32
      %dma_start3A_36 = arith.constant 0 : i32
      %dma_start3A_37 = tpu.memref_slice %arg6[%dma_start3A_35, %dma_start3A_36] : memref<128x16xf32, #tpu.memory_space<vmem>> -> memref<120x16xf32, #tpu.memory_space<vmem>>
      tpu.enqueue_dma source(%dma_start3A_37 : memref<120x16xf32, #tpu.memory_space<vmem>>) target(%dma_start3A_34 : memref<120x16xf32, #tpu.memory_space<vmem_shared>>) target_semaphore(%run_scoped3A : memref<!tpu.dma_semaphore, #tpu.memory_space<semaphore_mem>>)
      %dma_wait3A = arith.constant 0 : i32
      %dma_wait3A_38 = arith.constant 0 : i32
      %dma_wait3A_39 = tpu.memref_slice %arg6[%dma_wait3A, %dma_wait3A_38] : memref<128x16xf32, #tpu.memory_space<vmem>> -> memref<120x16xf32, #tpu.memory_space<vmem>>
      %dma_wait3A_40 = arith.constant 0 : i32
      %dma_wait3A_41 = tpu.memref_slice %arg7[%add3A_13, %dma_wait3A_40] : memref<10112x16xf32, #tpu.memory_space<vmem_shared>> -> memref<120x16xf32, #tpu.memory_space<vmem_shared>>
      %dma_wait3A_42 = arith.constant 0 : i32
      %dma_wait3A_43 = tpu.memref_slice %arg7[%add3A_13, %dma_wait3A_42] : memref<10112x16xf32, #tpu.memory_space<vmem_shared>> -> memref<120x16xf32, #tpu.memory_space<vmem_shared>>
      %dma_wait3A_44 = arith.constant 0 : i32
      %dma_wait3A_45 = arith.constant 0 : i32
      %dma_wait3A_46 = tpu.memref_slice %arg6[%dma_wait3A_44, %dma_wait3A_45] : memref<128x16xf32, #tpu.memory_space<vmem>> -> memref<120x16xf32, #tpu.memory_space<vmem>>
      tpu.wait_dma2 semaphore(%run_scoped3A : memref<!tpu.dma_semaphore, #tpu.memory_space<semaphore_mem>>) src(%dma_wait3A_46 : memref<120x16xf32, #tpu.memory_space<vmem>>) dst(%dma_wait3A_43 : memref<120x16xf32, #tpu.memory_space<vmem_shared>>)
      tpu.yield
    }) : () -> ()
    %barrier3A = arith.constant 0 : index
    tpu.barrier barrier_id(%barrier3A)
    "tpu.region"() ({
      %run_scoped3A = tpu.sem_alloc : memref<!tpu.dma_semaphore, #tpu.memory_space<semaphore_mem>>
      %dma_start3A = arith.constant 0 : i32
      %dma_start3A_29 = arith.constant 0 : i32
      %dma_start3A_30 = tpu.memref_slice %arg2[%add3A, %dma_start3A, %dma_start3A_29] : memref<32x80x128xi32, #tpu.memory_space<hbm>> -> memref<1x80x128xi32, #tpu.memory_space<hbm>>
      %dma_start3A_31 = tpu.memref_squeeze %dma_start3A_30 : memref<1x80x128xi32, #tpu.memory_space<hbm>> -> memref<80x128xi32, #tpu.memory_space<hbm>>
      %dma_start3A_32 = arith.constant 0 : i32
      %dma_start3A_33 = arith.constant 0 : i32
      %dma_start3A_34 = tpu.memref_slice %arg2[%add3A, %dma_start3A_32, %dma_start3A_33] : memref<32x80x128xi32, #tpu.memory_space<hbm>> -> memref<1x80x128xi32, #tpu.memory_space<hbm>>
      %dma_start3A_35 = tpu.memref_squeeze %dma_start3A_34 : memref<1x80x128xi32, #tpu.memory_space<hbm>> -> memref<80x128xi32, #tpu.memory_space<hbm>>
      tpu.enqueue_dma source(%dma_start3A_35 : memref<80x128xi32, #tpu.memory_space<hbm>>) target(%arg4 : memref<80x128xi32, #tpu.memory_space<vmem>>) target_semaphore(%run_scoped3A : memref<!tpu.dma_semaphore, #tpu.memory_space<semaphore_mem>>)
      %dma_wait3A = arith.constant 0 : i32
      %dma_wait3A_36 = arith.constant 0 : i32
      %dma_wait3A_37 = tpu.memref_slice %arg2[%add3A, %dma_wait3A, %dma_wait3A_36] : memref<32x80x128xi32, #tpu.memory_space<hbm>> -> memref<1x80x128xi32, #tpu.memory_space<hbm>>
      %dma_wait3A_38 = tpu.memref_squeeze %dma_wait3A_37 : memref<1x80x128xi32, #tpu.memory_space<hbm>> -> memref<80x128xi32, #tpu.memory_space<hbm>>
      %dma_wait3A_39 = arith.constant 0 : i32
      %dma_wait3A_40 = arith.constant 0 : i32
      %dma_wait3A_41 = tpu.memref_slice %arg2[%add3A, %dma_wait3A_39, %dma_wait3A_40] : memref<32x80x128xi32, #tpu.memory_space<hbm>> -> memref<1x80x128xi32, #tpu.memory_space<hbm>>
      %dma_wait3A_42 = tpu.memref_squeeze %dma_wait3A_41 : memref<1x80x128xi32, #tpu.memory_space<hbm>> -> memref<80x128xi32, #tpu.memory_space<hbm>>
      tpu.wait_dma2 semaphore(%run_scoped3A : memref<!tpu.dma_semaphore, #tpu.memory_space<semaphore_mem>>) src(%dma_wait3A_42 : memref<80x128xi32, #tpu.memory_space<hbm>>) dst(%arg4 : memref<80x128xi32, #tpu.memory_space<vmem>>)
      tpu.yield
    }) : () -> ()
    %scan3A_14 = arith.constant 0 : i32
    %scan3A_15 = arith.constant 80 : i32
    %scan3A_16 = arith.addi %scan3A_14, %scan3A_15 : i32
    %scan3A_17 = arith.constant 1 : i32
    scf.for %scan3A_29 = %scan3A_14 to %scan3A_16 step %scan3A_17  : i32 {
      %mul3A_30 = arith.constant 1 : i32
      %mul3A_31 = arith.muli %scan3A_29, %mul3A_30 : i32
      %add3A_32 = arith.constant 0 : i32
      %add3A_33 = arith.addi %add3A_32, %mul3A_31 : i32
      %dma_start3A = arith.constant 0 : i32
      %dma_start3A_34 = tpu.memref_slice %arg4[%add3A_33, %dma_start3A] : memref<80x128xi32, #tpu.memory_space<vmem>> -> memref<1x128xi32, #tpu.memory_space<vmem>>
      %dma_start3A_35 = tpu.memref_squeeze %dma_start3A_34 : memref<1x128xi32, #tpu.memory_space<vmem>> -> memref<128xi32, #tpu.memory_space<vmem>>
      %dma_start3A_36 = arith.constant 0 : i32
      %dma_start3A_37 = arith.constant 0 : i32
      %dma_start3A_38 = tpu.memref_slice %arg7[%dma_start3A_36, %dma_start3A_37] : memref<10112x16xf32, #tpu.memory_space<vmem_shared>> -> memref<10112x16xf32, #tpu.memory_space<vmem_shared>>
      tpu.enqueue_indirect_dma source(%arg5 : memref<128x16xf32, #tpu.memory_space<vmem>>) target(%dma_start3A_38 : memref<10112x16xf32, #tpu.memory_space<vmem_shared>>) offsets(%dma_start3A_35 : memref<128xi32, #tpu.memory_space<vmem>>) semaphore(%arg8 : memref<!tpu.dma_semaphore, #tpu.memory_space<semaphore_mem>>) {add = true}
    }
    %scan3A_18 = arith.constant 80 : i32
    %scan3A_19 = arith.constant 0 : i32
    %scan3A_20 = arith.constant 80 : i32
    %scan3A_21 = arith.addi %scan3A_19, %scan3A_20 : i32
    %scan3A_22 = arith.constant 1 : i32
    scf.for %scan3A_29 = %scan3A_19 to %scan3A_21 step %scan3A_22  : i32 {
      %mul3A_30 = arith.constant 1 : i32
      %mul3A_31 = arith.muli %scan3A_29, %mul3A_30 : i32
      %add3A_32 = arith.constant 0 : i32
      %add3A_33 = arith.addi %add3A_32, %mul3A_31 : i32
      %dma_wait3A = arith.constant 0 : i32
      %dma_wait3A_34 = arith.constant 0 : i32
      %dma_wait3A_35 = tpu.memref_slice %arg4[%dma_wait3A, %dma_wait3A_34] : memref<80x128xi32, #tpu.memory_space<vmem>> -> memref<1x128xi32, #tpu.memory_space<vmem>>
      %dma_wait3A_36 = tpu.memref_squeeze %dma_wait3A_35 : memref<1x128xi32, #tpu.memory_space<vmem>> -> memref<128xi32, #tpu.memory_space<vmem>>
      %dma_wait3A_37 = arith.constant 0 : i32
      %dma_wait3A_38 = arith.constant 0 : i32
      %dma_wait3A_39 = tpu.memref_slice %arg7[%dma_wait3A_37, %dma_wait3A_38] : memref<10112x16xf32, #tpu.memory_space<vmem_shared>> -> memref<10112x16xf32, #tpu.memory_space<vmem_shared>>
      tpu.wait_indirect_dma semaphore(%arg8 : memref<!tpu.dma_semaphore, #tpu.memory_space<semaphore_mem>>) src(%arg5 : memref<128x16xf32, #tpu.memory_space<vmem>>) dst(%dma_wait3A_39 : memref<10112x16xf32, #tpu.memory_space<vmem_shared>>)
    }
    %scan3A_23 = arith.constant 80 : i32
    %barrier3A_24 = arith.constant 0 : index
    tpu.barrier barrier_id(%barrier3A_24)
    %mul3A_25 = arith.constant 632 : i32
    %mul3A_26 = arith.muli %arg1, %mul3A_25 : i32
    %mul3A_27 = arith.constant 632 : i32
    %mul3A_28 = arith.muli %arg1, %mul3A_27 : i32
    "tpu.region"() ({
      %run_scoped3A = tpu.sem_alloc : memref<!tpu.dma_semaphore, #tpu.memory_space<semaphore_mem>>
      %dma_start3A = arith.constant 0 : i32
      %dma_start3A_29 = arith.constant 0 : i32
      %dma_start3A_30 = tpu.memref_slice %arg3[%arg0, %dma_start3A, %dma_start3A_29] : memref<2x10112x16xf32, #tpu.memory_space<hbm>> -> memref<1x10112x16xf32, #tpu.memory_space<hbm>>
      %dma_start3A_31 = tpu.memref_squeeze %dma_start3A_30 : memref<1x10112x16xf32, #tpu.memory_space<hbm>> -> memref<10112x16xf32, #tpu.memory_space<hbm>>
      %dma_start3A_32 = arith.constant 0 : i32
      %dma_start3A_33 = tpu.memref_slice %dma_start3A_31[%mul3A_28, %dma_start3A_32] : memref<10112x16xf32, #tpu.memory_space<hbm>> -> memref<632x16xf32, #tpu.memory_space<hbm>>
      %dma_start3A_34 = arith.constant 0 : i32
      %dma_start3A_35 = tpu.memref_slice %arg7[%mul3A_26, %dma_start3A_34] : memref<10112x16xf32, #tpu.memory_space<vmem_shared>> -> memref<632x16xf32, #tpu.memory_space<vmem_shared>>
      tpu.enqueue_dma source(%dma_start3A_35 : memref<632x16xf32, #tpu.memory_space<vmem_shared>>) target(%dma_start3A_33 : memref<632x16xf32, #tpu.memory_space<hbm>>) target_semaphore(%run_scoped3A : memref<!tpu.dma_semaphore, #tpu.memory_space<semaphore_mem>>)
      %dma_wait3A = arith.constant 0 : i32
      %dma_wait3A_36 = arith.constant 0 : i32
      %dma_wait3A_37 = tpu.memref_slice %arg3[%arg0, %dma_wait3A, %dma_wait3A_36] : memref<2x10112x16xf32, #tpu.memory_space<hbm>> -> memref<1x10112x16xf32, #tpu.memory_space<hbm>>
      %dma_wait3A_38 = tpu.memref_squeeze %dma_wait3A_37 : memref<1x10112x16xf32, #tpu.memory_space<hbm>> -> memref<10112x16xf32, #tpu.memory_space<hbm>>
      %dma_wait3A_39 = arith.constant 0 : i32
      %dma_wait3A_40 = tpu.memref_slice %dma_wait3A_38[%mul3A_28, %dma_wait3A_39] : memref<10112x16xf32, #tpu.memory_space<hbm>> -> memref<632x16xf32, #tpu.memory_space<hbm>>
      %dma_wait3A_41 = arith.constant 0 : i32
      %dma_wait3A_42 = tpu.memref_slice %arg7[%mul3A_26, %dma_wait3A_41] : memref<10112x16xf32, #tpu.memory_space<vmem_shared>> -> memref<632x16xf32, #tpu.memory_space<vmem_shared>>
      tpu.wait_dma2 semaphore(%run_scoped3A : memref<!tpu.dma_semaphore, #tpu.memory_space<semaphore_mem>>) src(%dma_wait3A_42 : memref<632x16xf32, #tpu.memory_space<vmem_shared>>) dst(%dma_wait3A_40 : memref<632x16xf32, #tpu.memory_space<hbm>>)
      tpu.yield
    }) : () -> ()
    return
  }
}

#map = affine_map<(d0, d1) -> (0, 0, 0)>
module attributes {stable_mosaic.version = 14 : i64} {
  func.func @k(%arg0: i32, %arg1: i32, %arg2: memref<2x10000x64xf32, #tpu.memory_space<hbm>>, %arg3: memref<16x160x128xi32, #tpu.memory_space<hbm>>, %arg4: memref<16x160x128xi32, #tpu.memory_space<hbm>>, %arg5: memref<2x10112x64xf32, #tpu.memory_space<hbm>>, %arg6: memref<160x128xi32, #tpu.memory_space<vmem>>, %arg7: memref<160x128xi32, #tpu.memory_space<vmem>>, %arg8: memref<128x64xf32, #tpu.memory_space<vmem>>, %arg9: memref<128x64xf32, #tpu.memory_space<vmem>>, %arg10: memref<128x64xf32, #tpu.memory_space<vmem>>, %arg11: memref<128x64xf32, #tpu.memory_space<vmem>>, %arg12: memref<128x64xf32, #tpu.memory_space<vmem>>, %arg13: memref<10112x64xf32, #tpu.memory_space<vmem_shared>>, %arg14: memref<!tpu.dma_semaphore, #tpu.memory_space<semaphore_mem>>, %arg15: memref<!tpu.dma_semaphore, #tpu.memory_space<semaphore_mem>>, %arg16: memref<!tpu.dma_semaphore, #tpu.memory_space<semaphore_mem>>, %arg17: memref<!tpu.dma_semaphore, #tpu.memory_space<semaphore_mem>>, %arg18: memref<!tpu.dma_semaphore, #tpu.memory_space<semaphore_mem>>, %arg19: memref<!tpu.dma_semaphore, #tpu.memory_space<semaphore_mem>>, %arg20: memref<!tpu.dma_semaphore, #tpu.memory_space<semaphore_mem>>, %arg21: memref<!tpu.dma_semaphore, #tpu.memory_space<semaphore_mem>>) attributes {dimension_semantics = [#tpu.dimension_semantics<core_parallel>, #tpu.dimension_semantics<subcore_parallel>], iteration_bounds = array<i64: 2, 16>, scalar_prefetch = 0 : i64, scratch_operands = 16 : i64, tpu.core_type = #tpu.core_type<sc_vector_subcore>, window_params = [{transform_indices = #map}, {transform_indices = #map}, {transform_indices = #map}, {transform_indices = #map}]} {
    "tpu.region"() ({
      %run_scoped3A = tpu.sem_alloc : memref<!tpu.dma_semaphore, #tpu.memory_space<semaphore_mem>>
      %dma_start3A_55 = arith.constant 0 : i32
      %dma_start3A_56 = arith.constant 0 : i32
      %dma_start3A_57 = tpu.memref_slice %arg3[%arg1, %dma_start3A_55, %dma_start3A_56] : memref<16x160x128xi32, #tpu.memory_space<hbm>> -> memref<1x160x128xi32, #tpu.memory_space<hbm>>
      %dma_start3A_58 = tpu.memref_squeeze %dma_start3A_57 : memref<1x160x128xi32, #tpu.memory_space<hbm>> -> memref<160x128xi32, #tpu.memory_space<hbm>>
      %dma_start3A_59 = arith.constant 0 : i32
      %dma_start3A_60 = arith.constant 0 : i32
      %dma_start3A_61 = tpu.memref_slice %arg3[%arg1, %dma_start3A_59, %dma_start3A_60] : memref<16x160x128xi32, #tpu.memory_space<hbm>> -> memref<1x160x128xi32, #tpu.memory_space<hbm>>
      %dma_start3A_62 = tpu.memref_squeeze %dma_start3A_61 : memref<1x160x128xi32, #tpu.memory_space<hbm>> -> memref<160x128xi32, #tpu.memory_space<hbm>>
      tpu.enqueue_dma source(%dma_start3A_62 : memref<160x128xi32, #tpu.memory_space<hbm>>) target(%arg6 : memref<160x128xi32, #tpu.memory_space<vmem>>) target_semaphore(%run_scoped3A : memref<!tpu.dma_semaphore, #tpu.memory_space<semaphore_mem>>)
      %dma_wait3A_63 = arith.constant 0 : i32
      %dma_wait3A_64 = arith.constant 0 : i32
      %dma_wait3A_65 = tpu.memref_slice %arg3[%arg1, %dma_wait3A_63, %dma_wait3A_64] : memref<16x160x128xi32, #tpu.memory_space<hbm>> -> memref<1x160x128xi32, #tpu.memory_space<hbm>>
      %dma_wait3A_66 = tpu.memref_squeeze %dma_wait3A_65 : memref<1x160x128xi32, #tpu.memory_space<hbm>> -> memref<160x128xi32, #tpu.memory_space<hbm>>
      %dma_wait3A_67 = arith.constant 0 : i32
      %dma_wait3A_68 = arith.constant 0 : i32
      %dma_wait3A_69 = tpu.memref_slice %arg3[%arg1, %dma_wait3A_67, %dma_wait3A_68] : memref<16x160x128xi32, #tpu.memory_space<hbm>> -> memref<1x160x128xi32, #tpu.memory_space<hbm>>
      %dma_wait3A_70 = tpu.memref_squeeze %dma_wait3A_69 : memref<1x160x128xi32, #tpu.memory_space<hbm>> -> memref<160x128xi32, #tpu.memory_space<hbm>>
      tpu.wait_dma2 semaphore(%run_scoped3A : memref<!tpu.dma_semaphore, #tpu.memory_space<semaphore_mem>>) src(%dma_wait3A_70 : memref<160x128xi32, #tpu.memory_space<hbm>>) dst(%arg6 : memref<160x128xi32, #tpu.memory_space<vmem>>)
      tpu.yield
    }) : () -> ()
    "tpu.region"() ({
      %run_scoped3A = tpu.sem_alloc : memref<!tpu.dma_semaphore, #tpu.memory_space<semaphore_mem>>
      %dma_start3A_55 = arith.constant 0 : i32
      %dma_start3A_56 = arith.constant 0 : i32
      %dma_start3A_57 = tpu.memref_slice %arg4[%arg1, %dma_start3A_55, %dma_start3A_56] : memref<16x160x128xi32, #tpu.memory_space<hbm>> -> memref<1x160x128xi32, #tpu.memory_space<hbm>>
      %dma_start3A_58 = tpu.memref_squeeze %dma_start3A_57 : memref<1x160x128xi32, #tpu.memory_space<hbm>> -> memref<160x128xi32, #tpu.memory_space<hbm>>
      %dma_start3A_59 = arith.constant 0 : i32
      %dma_start3A_60 = arith.constant 0 : i32
      %dma_start3A_61 = tpu.memref_slice %arg4[%arg1, %dma_start3A_59, %dma_start3A_60] : memref<16x160x128xi32, #tpu.memory_space<hbm>> -> memref<1x160x128xi32, #tpu.memory_space<hbm>>
      %dma_start3A_62 = tpu.memref_squeeze %dma_start3A_61 : memref<1x160x128xi32, #tpu.memory_space<hbm>> -> memref<160x128xi32, #tpu.memory_space<hbm>>
      tpu.enqueue_dma source(%dma_start3A_62 : memref<160x128xi32, #tpu.memory_space<hbm>>) target(%arg7 : memref<160x128xi32, #tpu.memory_space<vmem>>) target_semaphore(%run_scoped3A : memref<!tpu.dma_semaphore, #tpu.memory_space<semaphore_mem>>)
      %dma_wait3A_63 = arith.constant 0 : i32
      %dma_wait3A_64 = arith.constant 0 : i32
      %dma_wait3A_65 = tpu.memref_slice %arg4[%arg1, %dma_wait3A_63, %dma_wait3A_64] : memref<16x160x128xi32, #tpu.memory_space<hbm>> -> memref<1x160x128xi32, #tpu.memory_space<hbm>>
      %dma_wait3A_66 = tpu.memref_squeeze %dma_wait3A_65 : memref<1x160x128xi32, #tpu.memory_space<hbm>> -> memref<160x128xi32, #tpu.memory_space<hbm>>
      %dma_wait3A_67 = arith.constant 0 : i32
      %dma_wait3A_68 = arith.constant 0 : i32
      %dma_wait3A_69 = tpu.memref_slice %arg4[%arg1, %dma_wait3A_67, %dma_wait3A_68] : memref<16x160x128xi32, #tpu.memory_space<hbm>> -> memref<1x160x128xi32, #tpu.memory_space<hbm>>
      %dma_wait3A_70 = tpu.memref_squeeze %dma_wait3A_69 : memref<1x160x128xi32, #tpu.memory_space<hbm>> -> memref<160x128xi32, #tpu.memory_space<hbm>>
      tpu.wait_dma2 semaphore(%run_scoped3A : memref<!tpu.dma_semaphore, #tpu.memory_space<semaphore_mem>>) src(%dma_wait3A_70 : memref<160x128xi32, #tpu.memory_space<hbm>>) dst(%arg7 : memref<160x128xi32, #tpu.memory_space<vmem>>)
      tpu.yield
    }) : () -> ()
    %scan3A = arith.constant 0 : i32
    %scan3A_0 = arith.constant 128 : i32
    %scan3A_1 = arith.addi %scan3A, %scan3A_0 : i32
    %scan3A_2 = arith.constant 1 : i32
    scf.for %scan3A_55 = %scan3A to %scan3A_1 step %scan3A_2  : i32 {
      %mul3A_56 = arith.constant 1 : i32
      %mul3A_57 = arith.muli %scan3A_55, %mul3A_56 : i32
      %add3A_58 = arith.constant 0 : i32
      %add3A_59 = arith.addi %add3A_58, %mul3A_57 : i32
      %scan3A_60 = arith.constant 0 : i32
      %scan3A_61 = arith.constant 4 : i32
      %scan3A_62 = arith.addi %scan3A_60, %scan3A_61 : i32
      %scan3A_63 = arith.constant 1 : i32
      scf.for %scan3A_65 = %scan3A_60 to %scan3A_62 step %scan3A_63  : i32 {
        %mul3A_66 = arith.constant 1 : i32
        %mul3A_67 = arith.muli %scan3A_65, %mul3A_66 : i32
        %add3A_68 = arith.constant 0 : i32
        %add3A_69 = arith.addi %add3A_68, %mul3A_67 : i32
        %broadcast_in_dim3A = arith.constant 0.000000e+00 : f32
        %broadcast_in_dim3A_70 = vector.broadcast %broadcast_in_dim3A : f32 to vector<16xf32>
        %mul3A_71 = arith.constant 16 : i32
        %mul3A_72 = arith.muli %add3A_69, %mul3A_71 : i32
        %swap3A = arith.index_cast %add3A_59 : i32 to index
        %swap3A_73 = arith.index_cast %mul3A_72 : i32 to index
        %swap3A_74 = tpu.vector_load %arg12[%swap3A, %swap3A_73] {strides = array<i32>} : memref<128x64xf32, #tpu.memory_space<vmem>>, vector<1x16xf32>,
        %swap3A_75 = vector.shape_cast %swap3A_74 : vector<1x16xf32> to vector<16xf32>
        %swap3A_76 = vector.shape_cast %broadcast_in_dim3A_70 : vector<16xf32> to vector<1x16xf32>
        tpu.vector_store %arg12[%swap3A, %swap3A_73], %swap3A_76 {strides = array<i32>} : memref<128x64xf32, #tpu.memory_space<vmem>>, vector<1x16xf32>,
      }
      %scan3A_64 = arith.constant 4 : i32
    }
    %scan3A_3 = arith.constant 128 : i32
    %scan3A_4 = arith.constant 0 : i32
    %scan3A_5 = arith.constant 4 : i32
    %scan3A_6 = arith.addi %scan3A_4, %scan3A_5 : i32
    %scan3A_7 = arith.constant 1 : i32
    scf.for %scan3A_55 = %scan3A_4 to %scan3A_6 step %scan3A_7  : i32 {
      %mul3A_56 = arith.constant 1 : i32
      %mul3A_57 = arith.muli %scan3A_55, %mul3A_56 : i32
      %add3A_58 = arith.constant 0 : i32
      %add3A_59 = arith.addi %add3A_58, %mul3A_57 : i32
      %mul3A_60 = arith.constant 632 : i32
      %mul3A_61 = arith.muli %arg1, %mul3A_60 : i32
      %mul3A_62 = arith.constant 128 : i32
      %mul3A_63 = arith.muli %add3A_59, %mul3A_62 : i32
      %add3A_64 = arith.addi %mul3A_61, %mul3A_63 : i32
      "tpu.region"() ({
        %run_scoped3A = tpu.sem_alloc : memref<!tpu.dma_semaphore, #tpu.memory_space<semaphore_mem>>
        %dma_start3A_65 = arith.constant 0 : i32
        %dma_start3A_66 = tpu.memref_slice %arg13[%add3A_64, %dma_start3A_65] : memref<10112x64xf32, #tpu.memory_space<vmem_shared>> -> memref<128x64xf32, #tpu.memory_space<vmem_shared>>
        %dma_start3A_67 = arith.constant 0 : i32
        %dma_start3A_68 = tpu.memref_slice %arg13[%add3A_64, %dma_start3A_67] : memref<10112x64xf32, #tpu.memory_space<vmem_shared>> -> memref<128x64xf32, #tpu.memory_space<vmem_shared>>
        tpu.enqueue_dma source(%arg12 : memref<128x64xf32, #tpu.memory_space<vmem>>) target(%dma_start3A_68 : memref<128x64xf32, #tpu.memory_space<vmem_shared>>) target_semaphore(%run_scoped3A : memref<!tpu.dma_semaphore, #tpu.memory_space<semaphore_mem>>)
        %dma_wait3A_69 = arith.constant 0 : i32
        %dma_wait3A_70 = tpu.memref_slice %arg13[%add3A_64, %dma_wait3A_69] : memref<10112x64xf32, #tpu.memory_space<vmem_shared>> -> memref<128x64xf32, #tpu.memory_space<vmem_shared>>
        %dma_wait3A_71 = arith.constant 0 : i32
        %dma_wait3A_72 = tpu.memref_slice %arg13[%add3A_64, %dma_wait3A_71] : memref<10112x64xf32, #tpu.memory_space<vmem_shared>> -> memref<128x64xf32, #tpu.memory_space<vmem_shared>>
        tpu.wait_dma2 semaphore(%run_scoped3A : memref<!tpu.dma_semaphore, #tpu.memory_space<semaphore_mem>>) src(%arg12 : memref<128x64xf32, #tpu.memory_space<vmem>>) dst(%dma_wait3A_72 : memref<128x64xf32, #tpu.memory_space<vmem_shared>>)
        tpu.yield
      }) : () -> ()
    }
    %scan3A_8 = arith.constant 4 : i32
    %mul3A = arith.constant 632 : i32
    %mul3A_9 = arith.muli %arg1, %mul3A : i32
    %add3A = arith.constant 512 : i32
    %add3A_10 = arith.addi %mul3A_9, %add3A : i32
    "tpu.region"() ({
      %run_scoped3A = tpu.sem_alloc : memref<!tpu.dma_semaphore, #tpu.memory_space<semaphore_mem>>
      %dma_start3A_55 = arith.constant 0 : i32
      %dma_start3A_56 = arith.constant 0 : i32
      %dma_start3A_57 = tpu.memref_slice %arg12[%dma_start3A_55, %dma_start3A_56] : memref<128x64xf32, #tpu.memory_space<vmem>> -> memref<120x64xf32, #tpu.memory_space<vmem>>
      %dma_start3A_58 = arith.constant 0 : i32
      %dma_start3A_59 = tpu.memref_slice %arg13[%add3A_10, %dma_start3A_58] : memref<10112x64xf32, #tpu.memory_space<vmem_shared>> -> memref<120x64xf32, #tpu.memory_space<vmem_shared>>
      %dma_start3A_60 = arith.constant 0 : i32
      %dma_start3A_61 = tpu.memref_slice %arg13[%add3A_10, %dma_start3A_60] : memref<10112x64xf32, #tpu.memory_space<vmem_shared>> -> memref<120x64xf32, #tpu.memory_space<vmem_shared>>
      %dma_start3A_62 = arith.constant 0 : i32
      %dma_start3A_63 = arith.constant 0 : i32
      %dma_start3A_64 = tpu.memref_slice %arg12[%dma_start3A_62, %dma_start3A_63] : memref<128x64xf32, #tpu.memory_space<vmem>> -> memref<120x64xf32, #tpu.memory_space<vmem>>
      tpu.enqueue_dma source(%dma_start3A_64 : memref<120x64xf32, #tpu.memory_space<vmem>>) target(%dma_start3A_61 : memref<120x64xf32, #tpu.memory_space<vmem_shared>>) target_semaphore(%run_scoped3A : memref<!tpu.dma_semaphore, #tpu.memory_space<semaphore_mem>>)
      %dma_wait3A_65 = arith.constant 0 : i32
      %dma_wait3A_66 = arith.constant 0 : i32
      %dma_wait3A_67 = tpu.memref_slice %arg12[%dma_wait3A_65, %dma_wait3A_66] : memref<128x64xf32, #tpu.memory_space<vmem>> -> memref<120x64xf32, #tpu.memory_space<vmem>>
      %dma_wait3A_68 = arith.constant 0 : i32
      %dma_wait3A_69 = tpu.memref_slice %arg13[%add3A_10, %dma_wait3A_68] : memref<10112x64xf32, #tpu.memory_space<vmem_shared>> -> memref<120x64xf32, #tpu.memory_space<vmem_shared>>
      %dma_wait3A_70 = arith.constant 0 : i32
      %dma_wait3A_71 = tpu.memref_slice %arg13[%add3A_10, %dma_wait3A_70] : memref<10112x64xf32, #tpu.memory_space<vmem_shared>> -> memref<120x64xf32, #tpu.memory_space<vmem_shared>>
      %dma_wait3A_72 = arith.constant 0 : i32
      %dma_wait3A_73 = arith.constant 0 : i32
      %dma_wait3A_74 = tpu.memref_slice %arg12[%dma_wait3A_72, %dma_wait3A_73] : memref<128x64xf32, #tpu.memory_space<vmem>> -> memref<120x64xf32, #tpu.memory_space<vmem>>
      tpu.wait_dma2 semaphore(%run_scoped3A : memref<!tpu.dma_semaphore, #tpu.memory_space<semaphore_mem>>) src(%dma_wait3A_74 : memref<120x64xf32, #tpu.memory_space<vmem>>) dst(%dma_wait3A_71 : memref<120x64xf32, #tpu.memory_space<vmem_shared>>)
      tpu.yield
    }) : () -> ()
    %barrier3A = arith.constant 0 : index
    tpu.barrier barrier_id(%barrier3A)
    %dma_start3A = arith.constant 0 : i32
    %dma_start3A_11 = arith.constant 0 : i32
    %dma_start3A_12 = tpu.memref_slice %arg6[%dma_start3A, %dma_start3A_11] : memref<160x128xi32, #tpu.memory_space<vmem>> -> memref<1x128xi32, #tpu.memory_space<vmem>>
    %dma_start3A_13 = tpu.memref_squeeze %dma_start3A_12 : memref<1x128xi32, #tpu.memory_space<vmem>> -> memref<128xi32, #tpu.memory_space<vmem>>
    %dma_start3A_14 = arith.constant 0 : i32
    %dma_start3A_15 = arith.constant 0 : i32
    %dma_start3A_16 = tpu.memref_slice %arg2[%arg0, %dma_start3A_14, %dma_start3A_15] : memref<2x10000x64xf32, #tpu.memory_space<hbm>> -> memref<1x10000x64xf32, #tpu.memory_space<hbm>>
    %dma_start3A_17 = tpu.memref_squeeze %dma_start3A_16 : memref<1x10000x64xf32, #tpu.memory_space<hbm>> -> memref<10000x64xf32, #tpu.memory_space<hbm>>
    %dma_start3A_18 = arith.constant 0 : i32
    %dma_start3A_19 = arith.constant 0 : i32
    %dma_start3A_20 = tpu.memref_slice %dma_start3A_17[%dma_start3A_18, %dma_start3A_19] : memref<10000x64xf32, #tpu.memory_space<hbm>> -> memref<10000x64xf32, #tpu.memory_space<hbm>>
    tpu.enqueue_indirect_dma source(%dma_start3A_20 : memref<10000x64xf32, #tpu.memory_space<hbm>>) target(%arg8 : memref<128x64xf32, #tpu.memory_space<vmem>>) offsets(%dma_start3A_13 : memref<128xi32, #tpu.memory_space<vmem>>) semaphore(%arg14 : memref<!tpu.dma_semaphore, #tpu.memory_space<semaphore_mem>>)
    %dma_start3A_21 = arith.constant 1 : i32
    %dma_start3A_22 = arith.constant 0 : i32
    %dma_start3A_23 = tpu.memref_slice %arg6[%dma_start3A_21, %dma_start3A_22] : memref<160x128xi32, #tpu.memory_space<vmem>> -> memref<1x128xi32, #tpu.memory_space<vmem>>
    %dma_start3A_24 = tpu.memref_squeeze %dma_start3A_23 : memref<1x128xi32, #tpu.memory_space<vmem>> -> memref<128xi32, #tpu.memory_space<vmem>>
    %dma_start3A_25 = arith.constant 0 : i32
    %dma_start3A_26 = arith.constant 0 : i32
    %dma_start3A_27 = tpu.memref_slice %arg2[%arg0, %dma_start3A_25, %dma_start3A_26] : memref<2x10000x64xf32, #tpu.memory_space<hbm>> -> memref<1x10000x64xf32, #tpu.memory_space<hbm>>
    %dma_start3A_28 = tpu.memref_squeeze %dma_start3A_27 : memref<1x10000x64xf32, #tpu.memory_space<hbm>> -> memref<10000x64xf32, #tpu.memory_space<hbm>>
    %dma_start3A_29 = arith.constant 0 : i32
    %dma_start3A_30 = arith.constant 0 : i32
    %dma_start3A_31 = tpu.memref_slice %dma_start3A_28[%dma_start3A_29, %dma_start3A_30] : memref<10000x64xf32, #tpu.memory_space<hbm>> -> memref<10000x64xf32, #tpu.memory_space<hbm>>
    tpu.enqueue_indirect_dma source(%dma_start3A_31 : memref<10000x64xf32, #tpu.memory_space<hbm>>) target(%arg9 : memref<128x64xf32, #tpu.memory_space<vmem>>) offsets(%dma_start3A_24 : memref<128xi32, #tpu.memory_space<vmem>>) semaphore(%arg15 : memref<!tpu.dma_semaphore, #tpu.memory_space<semaphore_mem>>)
    %scan3A_32 = arith.constant 0 : i32
    %scan3A_33 = arith.constant 40 : i32
    %scan3A_34 = arith.addi %scan3A_32, %scan3A_33 : i32
    %scan3A_35 = arith.constant 1 : i32
    scf.for %scan3A_55 = %scan3A_32 to %scan3A_34 step %scan3A_35  : i32 {
      %mul3A_56 = arith.constant 1 : i32
      %mul3A_57 = arith.muli %scan3A_55, %mul3A_56 : i32
      %add3A_58 = arith.constant 0 : i32
      %add3A_59 = arith.addi %add3A_58, %mul3A_57 : i32
      %mul3A_60 = arith.constant 4 : i32
      %mul3A_61 = arith.muli %mul3A_60, %add3A_59 : i32
      %add3A_62 = arith.constant 0 : i32
      %add3A_63 = arith.addi %mul3A_61, %add3A_62 : i32
      %dma_wait3A_64 = arith.constant 0 : i32
      %dma_wait3A_65 = arith.constant 0 : i32
      %dma_wait3A_66 = tpu.memref_slice %arg6[%dma_wait3A_64, %dma_wait3A_65] : memref<160x128xi32, #tpu.memory_space<vmem>> -> memref<1x128xi32, #tpu.memory_space<vmem>>
      %dma_wait3A_67 = tpu.memref_squeeze %dma_wait3A_66 : memref<1x128xi32, #tpu.memory_space<vmem>> -> memref<128xi32, #tpu.memory_space<vmem>>
      %dma_wait3A_68 = arith.constant 0 : i32
      %dma_wait3A_69 = arith.constant 0 : i32
      %dma_wait3A_70 = tpu.memref_slice %arg2[%arg0, %dma_wait3A_68, %dma_wait3A_69] : memref<2x10000x64xf32, #tpu.memory_space<hbm>> -> memref<1x10000x64xf32, #tpu.memory_space<hbm>>
      %dma_wait3A_71 = tpu.memref_squeeze %dma_wait3A_70 : memref<1x10000x64xf32, #tpu.memory_space<hbm>> -> memref<10000x64xf32, #tpu.memory_space<hbm>>
      %dma_wait3A_72 = arith.constant 0 : i32
      %dma_wait3A_73 = arith.constant 0 : i32
      %dma_wait3A_74 = tpu.memref_slice %dma_wait3A_71[%dma_wait3A_72, %dma_wait3A_73] : memref<10000x64xf32, #tpu.memory_space<hbm>> -> memref<10000x64xf32, #tpu.memory_space<hbm>>
      tpu.wait_indirect_dma semaphore(%arg14 : memref<!tpu.dma_semaphore, #tpu.memory_space<semaphore_mem>>) src(%dma_wait3A_74 : memref<10000x64xf32, #tpu.memory_space<hbm>>) dst(%arg8 : memref<128x64xf32, #tpu.memory_space<vmem>>)
      %dma_start3A_75 = arith.constant 0 : i32
      %dma_start3A_76 = tpu.memref_slice %arg7[%add3A_63, %dma_start3A_75] : memref<160x128xi32, #tpu.memory_space<vmem>> -> memref<1x128xi32, #tpu.memory_space<vmem>>
      %dma_start3A_77 = tpu.memref_squeeze %dma_start3A_76 : memref<1x128xi32, #tpu.memory_space<vmem>> -> memref<128xi32, #tpu.memory_space<vmem>>
      %dma_start3A_78 = arith.constant 0 : i32
      %dma_start3A_79 = arith.constant 0 : i32
      %dma_start3A_80 = tpu.memref_slice %arg13[%dma_start3A_78, %dma_start3A_79] : memref<10112x64xf32, #tpu.memory_space<vmem_shared>> -> memref<10112x64xf32, #tpu.memory_space<vmem_shared>>
      tpu.enqueue_indirect_dma source(%arg8 : memref<128x64xf32, #tpu.memory_space<vmem>>) target(%dma_start3A_80 : memref<10112x64xf32, #tpu.memory_space<vmem_shared>>) offsets(%dma_start3A_77 : memref<128xi32, #tpu.memory_space<vmem>>) semaphore(%arg18 : memref<!tpu.dma_semaphore, #tpu.memory_space<semaphore_mem>>) {add = true}
      %gt3A = arith.constant 0 : i32
      %gt3A_81 = arith.cmpi sgt, %add3A_59, %gt3A : i32
      %convert_element_type3A = arith.extui %gt3A_81 : i1 to i32
      %cond3A = arith.constant 0 : i32
      %cond3A_82 = arith.cmpi ne, %convert_element_type3A, %cond3A : i32
      scf.if %cond3A_82 {
        %dma_wait3A_198 = arith.constant 0 : i32
        %dma_wait3A_199 = arith.constant 0 : i32
        %dma_wait3A_200 = tpu.memref_slice %arg7[%dma_wait3A_198, %dma_wait3A_199] : memref<160x128xi32, #tpu.memory_space<vmem>> -> memref<1x128xi32, #tpu.memory_space<vmem>>
        %dma_wait3A_201 = tpu.memref_squeeze %dma_wait3A_200 : memref<1x128xi32, #tpu.memory_space<vmem>> -> memref<128xi32, #tpu.memory_space<vmem>>
        %dma_wait3A_202 = arith.constant 0 : i32
        %dma_wait3A_203 = arith.constant 0 : i32
        %dma_wait3A_204 = tpu.memref_slice %arg13[%dma_wait3A_202, %dma_wait3A_203] : memref<10112x64xf32, #tpu.memory_space<vmem_shared>> -> memref<10112x64xf32, #tpu.memory_space<vmem_shared>>
        tpu.wait_indirect_dma semaphore(%arg20 : memref<!tpu.dma_semaphore, #tpu.memory_space<semaphore_mem>>) src(%arg10 : memref<128x64xf32, #tpu.memory_space<vmem>>) dst(%dma_wait3A_204 : memref<10112x64xf32, #tpu.memory_space<vmem_shared>>)
      } else {
      }
      %add3A_83 = arith.constant 2 : i32
      %add3A_84 = arith.addi %add3A_63, %add3A_83 : i32
      %dma_start3A_85 = arith.constant 0 : i32
      %dma_start3A_86 = tpu.memref_slice %arg6[%add3A_84, %dma_start3A_85] : memref<160x128xi32, #tpu.memory_space<vmem>> -> memref<1x128xi32, #tpu.memory_space<vmem>>
      %dma_start3A_87 = tpu.memref_squeeze %dma_start3A_86 : memref<1x128xi32, #tpu.memory_space<vmem>> -> memref<128xi32, #tpu.memory_space<vmem>>
      %dma_start3A_88 = arith.constant 0 : i32
      %dma_start3A_89 = arith.constant 0 : i32
      %dma_start3A_90 = tpu.memref_slice %arg2[%arg0, %dma_start3A_88, %dma_start3A_89] : memref<2x10000x64xf32, #tpu.memory_space<hbm>> -> memref<1x10000x64xf32, #tpu.memory_space<hbm>>
      %dma_start3A_91 = tpu.memref_squeeze %dma_start3A_90 : memref<1x10000x64xf32, #tpu.memory_space<hbm>> -> memref<10000x64xf32, #tpu.memory_space<hbm>>
      %dma_start3A_92 = arith.constant 0 : i32
      %dma_start3A_93 = arith.constant 0 : i32
      %dma_start3A_94 = tpu.memref_slice %dma_start3A_91[%dma_start3A_92, %dma_start3A_93] : memref<10000x64xf32, #tpu.memory_space<hbm>> -> memref<10000x64xf32, #tpu.memory_space<hbm>>
      tpu.enqueue_indirect_dma source(%dma_start3A_94 : memref<10000x64xf32, #tpu.memory_space<hbm>>) target(%arg10 : memref<128x64xf32, #tpu.memory_space<vmem>>) offsets(%dma_start3A_87 : memref<128xi32, #tpu.memory_space<vmem>>) semaphore(%arg16 : memref<!tpu.dma_semaphore, #tpu.memory_space<semaphore_mem>>)
      %mul3A_95 = arith.constant 4 : i32
      %mul3A_96 = arith.muli %mul3A_95, %add3A_59 : i32
      %add3A_97 = arith.constant 1 : i32
      %add3A_98 = arith.addi %mul3A_96, %add3A_97 : i32
      %dma_wait3A_99 = arith.constant 0 : i32
      %dma_wait3A_100 = arith.constant 0 : i32
      %dma_wait3A_101 = tpu.memref_slice %arg6[%dma_wait3A_99, %dma_wait3A_100] : memref<160x128xi32, #tpu.memory_space<vmem>> -> memref<1x128xi32, #tpu.memory_space<vmem>>
      %dma_wait3A_102 = tpu.memref_squeeze %dma_wait3A_101 : memref<1x128xi32, #tpu.memory_space<vmem>> -> memref<128xi32, #tpu.memory_space<vmem>>
      %dma_wait3A_103 = arith.constant 0 : i32
      %dma_wait3A_104 = arith.constant 0 : i32
      %dma_wait3A_105 = tpu.memref_slice %arg2[%arg0, %dma_wait3A_103, %dma_wait3A_104] : memref<2x10000x64xf32, #tpu.memory_space<hbm>> -> memref<1x10000x64xf32, #tpu.memory_space<hbm>>
      %dma_wait3A_106 = tpu.memref_squeeze %dma_wait3A_105 : memref<1x10000x64xf32, #tpu.memory_space<hbm>> -> memref<10000x64xf32, #tpu.memory_space<hbm>>
      %dma_wait3A_107 = arith.constant 0 : i32
      %dma_wait3A_108 = arith.constant 0 : i32
      %dma_wait3A_109 = tpu.memref_slice %dma_wait3A_106[%dma_wait3A_107, %dma_wait3A_108] : memref<10000x64xf32, #tpu.memory_space<hbm>> -> memref<10000x64xf32, #tpu.memory_space<hbm>>
      tpu.wait_indirect_dma semaphore(%arg15 : memref<!tpu.dma_semaphore, #tpu.memory_space<semaphore_mem>>) src(%dma_wait3A_109 : memref<10000x64xf32, #tpu.memory_space<hbm>>) dst(%arg9 : memref<128x64xf32, #tpu.memory_space<vmem>>)
      %dma_start3A_110 = arith.constant 0 : i32
      %dma_start3A_111 = tpu.memref_slice %arg7[%add3A_98, %dma_start3A_110] : memref<160x128xi32, #tpu.memory_space<vmem>> -> memref<1x128xi32, #tpu.memory_space<vmem>>
      %dma_start3A_112 = tpu.memref_squeeze %dma_start3A_111 : memref<1x128xi32, #tpu.memory_space<vmem>> -> memref<128xi32, #tpu.memory_space<vmem>>
      %dma_start3A_113 = arith.constant 0 : i32
      %dma_start3A_114 = arith.constant 0 : i32
      %dma_start3A_115 = tpu.memref_slice %arg13[%dma_start3A_113, %dma_start3A_114] : memref<10112x64xf32, #tpu.memory_space<vmem_shared>> -> memref<10112x64xf32, #tpu.memory_space<vmem_shared>>
      tpu.enqueue_indirect_dma source(%arg9 : memref<128x64xf32, #tpu.memory_space<vmem>>) target(%dma_start3A_115 : memref<10112x64xf32, #tpu.memory_space<vmem_shared>>) offsets(%dma_start3A_112 : memref<128xi32, #tpu.memory_space<vmem>>) semaphore(%arg19 : memref<!tpu.dma_semaphore, #tpu.memory_space<semaphore_mem>>) {add = true}
      %gt3A_116 = arith.constant 0 : i32
      %gt3A_117 = arith.cmpi sgt, %add3A_59, %gt3A_116 : i32
      %convert_element_type3A_118 = arith.extui %gt3A_117 : i1 to i32
      %cond3A_119 = arith.constant 0 : i32
      %cond3A_120 = arith.cmpi ne, %convert_element_type3A_118, %cond3A_119 : i32
      scf.if %cond3A_120 {
        %dma_wait3A_198 = arith.constant 0 : i32
        %dma_wait3A_199 = arith.constant 0 : i32
        %dma_wait3A_200 = tpu.memref_slice %arg7[%dma_wait3A_198, %dma_wait3A_199] : memref<160x128xi32, #tpu.memory_space<vmem>> -> memref<1x128xi32, #tpu.memory_space<vmem>>
        %dma_wait3A_201 = tpu.memref_squeeze %dma_wait3A_200 : memref<1x128xi32, #tpu.memory_space<vmem>> -> memref<128xi32, #tpu.memory_space<vmem>>
        %dma_wait3A_202 = arith.constant 0 : i32
        %dma_wait3A_203 = arith.constant 0 : i32
        %dma_wait3A_204 = tpu.memref_slice %arg13[%dma_wait3A_202, %dma_wait3A_203] : memref<10112x64xf32, #tpu.memory_space<vmem_shared>> -> memref<10112x64xf32, #tpu.memory_space<vmem_shared>>
        tpu.wait_indirect_dma semaphore(%arg21 : memref<!tpu.dma_semaphore, #tpu.memory_space<semaphore_mem>>) src(%arg11 : memref<128x64xf32, #tpu.memory_space<vmem>>) dst(%dma_wait3A_204 : memref<10112x64xf32, #tpu.memory_space<vmem_shared>>)
      } else {
      }
      %add3A_121 = arith.constant 2 : i32
      %add3A_122 = arith.addi %add3A_98, %add3A_121 : i32
      %dma_start3A_123 = arith.constant 0 : i32
      %dma_start3A_124 = tpu.memref_slice %arg6[%add3A_122, %dma_start3A_123] : memref<160x128xi32, #tpu.memory_space<vmem>> -> memref<1x128xi32, #tpu.memory_space<vmem>>
      %dma_start3A_125 = tpu.memref_squeeze %dma_start3A_124 : memref<1x128xi32, #tpu.memory_space<vmem>> -> memref<128xi32, #tpu.memory_space<vmem>>
      %dma_start3A_126 = arith.constant 0 : i32
      %dma_start3A_127 = arith.constant 0 : i32
      %dma_start3A_128 = tpu.memref_slice %arg2[%arg0, %dma_start3A_126, %dma_start3A_127] : memref<2x10000x64xf32, #tpu.memory_space<hbm>> -> memref<1x10000x64xf32, #tpu.memory_space<hbm>>
      %dma_start3A_129 = tpu.memref_squeeze %dma_start3A_128 : memref<1x10000x64xf32, #tpu.memory_space<hbm>> -> memref<10000x64xf32, #tpu.memory_space<hbm>>
      %dma_start3A_130 = arith.constant 0 : i32
      %dma_start3A_131 = arith.constant 0 : i32
      %dma_start3A_132 = tpu.memref_slice %dma_start3A_129[%dma_start3A_130, %dma_start3A_131] : memref<10000x64xf32, #tpu.memory_space<hbm>> -> memref<10000x64xf32, #tpu.memory_space<hbm>>
      tpu.enqueue_indirect_dma source(%dma_start3A_132 : memref<10000x64xf32, #tpu.memory_space<hbm>>) target(%arg11 : memref<128x64xf32, #tpu.memory_space<vmem>>) offsets(%dma_start3A_125 : memref<128xi32, #tpu.memory_space<vmem>>) semaphore(%arg17 : memref<!tpu.dma_semaphore, #tpu.memory_space<semaphore_mem>>)
      %mul3A_133 = arith.constant 4 : i32
      %mul3A_134 = arith.muli %mul3A_133, %add3A_59 : i32
      %add3A_135 = arith.constant 2 : i32
      %add3A_136 = arith.addi %mul3A_134, %add3A_135 : i32
      %dma_wait3A_137 = arith.constant 0 : i32
      %dma_wait3A_138 = arith.constant 0 : i32
      %dma_wait3A_139 = tpu.memref_slice %arg6[%dma_wait3A_137, %dma_wait3A_138] : memref<160x128xi32, #tpu.memory_space<vmem>> -> memref<1x128xi32, #tpu.memory_space<vmem>>
      %dma_wait3A_140 = tpu.memref_squeeze %dma_wait3A_139 : memref<1x128xi32, #tpu.memory_space<vmem>> -> memref<128xi32, #tpu.memory_space<vmem>>
      %dma_wait3A_141 = arith.constant 0 : i32
      %dma_wait3A_142 = arith.constant 0 : i32
      %dma_wait3A_143 = tpu.memref_slice %arg2[%arg0, %dma_wait3A_141, %dma_wait3A_142] : memref<2x10000x64xf32, #tpu.memory_space<hbm>> -> memref<1x10000x64xf32, #tpu.memory_space<hbm>>
      %dma_wait3A_144 = tpu.memref_squeeze %dma_wait3A_143 : memref<1x10000x64xf32, #tpu.memory_space<hbm>> -> memref<10000x64xf32, #tpu.memory_space<hbm>>
      %dma_wait3A_145 = arith.constant 0 : i32
      %dma_wait3A_146 = arith.constant 0 : i32
      %dma_wait3A_147 = tpu.memref_slice %dma_wait3A_144[%dma_wait3A_145, %dma_wait3A_146] : memref<10000x64xf32, #tpu.memory_space<hbm>> -> memref<10000x64xf32, #tpu.memory_space<hbm>>
      tpu.wait_indirect_dma semaphore(%arg16 : memref<!tpu.dma_semaphore, #tpu.memory_space<semaphore_mem>>) src(%dma_wait3A_147 : memref<10000x64xf32, #tpu.memory_space<hbm>>) dst(%arg10 : memref<128x64xf32, #tpu.memory_space<vmem>>)
      %dma_start3A_148 = arith.constant 0 : i32
      %dma_start3A_149 = tpu.memref_slice %arg7[%add3A_136, %dma_start3A_148] : memref<160x128xi32, #tpu.memory_space<vmem>> -> memref<1x128xi32, #tpu.memory_space<vmem>>
      %dma_start3A_150 = tpu.memref_squeeze %dma_start3A_149 : memref<1x128xi32, #tpu.memory_space<vmem>> -> memref<128xi32, #tpu.memory_space<vmem>>
      %dma_start3A_151 = arith.constant 0 : i32
      %dma_start3A_152 = arith.constant 0 : i32
      %dma_start3A_153 = tpu.memref_slice %arg13[%dma_start3A_151, %dma_start3A_152] : memref<10112x64xf32, #tpu.memory_space<vmem_shared>> -> memref<10112x64xf32, #tpu.memory_space<vmem_shared>>
      tpu.enqueue_indirect_dma source(%arg10 : memref<128x64xf32, #tpu.memory_space<vmem>>) target(%dma_start3A_153 : memref<10112x64xf32, #tpu.memory_space<vmem_shared>>) offsets(%dma_start3A_150 : memref<128xi32, #tpu.memory_space<vmem>>) semaphore(%arg20 : memref<!tpu.dma_semaphore, #tpu.memory_space<semaphore_mem>>) {add = true}
      %dma_wait3A_154 = arith.constant 0 : i32
      %dma_wait3A_155 = arith.constant 0 : i32
      %dma_wait3A_156 = tpu.memref_slice %arg7[%dma_wait3A_154, %dma_wait3A_155] : memref<160x128xi32, #tpu.memory_space<vmem>> -> memref<1x128xi32, #tpu.memory_space<vmem>>
      %dma_wait3A_157 = tpu.memref_squeeze %dma_wait3A_156 : memref<1x128xi32, #tpu.memory_space<vmem>> -> memref<128xi32, #tpu.memory_space<vmem>>
      %dma_wait3A_158 = arith.constant 0 : i32
      %dma_wait3A_159 = arith.constant 0 : i32
      %dma_wait3A_160 = tpu.memref_slice %arg13[%dma_wait3A_158, %dma_wait3A_159] : memref<10112x64xf32, #tpu.memory_space<vmem_shared>> -> memref<10112x64xf32, #tpu.memory_space<vmem_shared>>
      tpu.wait_indirect_dma semaphore(%arg18 : memref<!tpu.dma_semaphore, #tpu.memory_space<semaphore_mem>>) src(%arg8 : memref<128x64xf32, #tpu.memory_space<vmem>>) dst(%dma_wait3A_160 : memref<10112x64xf32, #tpu.memory_space<vmem_shared>>)
      %lt3A = arith.constant 39 : i32
      %lt3A_161 = arith.cmpi slt, %add3A_59, %lt3A : i32
      %convert_element_type3A_162 = arith.extui %lt3A_161 : i1 to i32
      %cond3A_163 = arith.constant 0 : i32
      %cond3A_164 = arith.cmpi ne, %convert_element_type3A_162, %cond3A_163 : i32
      scf.if %cond3A_164 {
        %add3A_198 = arith.constant 2 : i32
        %add3A_199 = arith.addi %add3A_136, %add3A_198 : i32
        %dma_start3A_200 = arith.constant 0 : i32
        %dma_start3A_201 = tpu.memref_slice %arg6[%add3A_199, %dma_start3A_200] : memref<160x128xi32, #tpu.memory_space<vmem>> -> memref<1x128xi32, #tpu.memory_space<vmem>>
        %dma_start3A_202 = tpu.memref_squeeze %dma_start3A_201 : memref<1x128xi32, #tpu.memory_space<vmem>> -> memref<128xi32, #tpu.memory_space<vmem>>
        %dma_start3A_203 = arith.constant 0 : i32
        %dma_start3A_204 = arith.constant 0 : i32
        %dma_start3A_205 = tpu.memref_slice %arg2[%arg0, %dma_start3A_203, %dma_start3A_204] : memref<2x10000x64xf32, #tpu.memory_space<hbm>> -> memref<1x10000x64xf32, #tpu.memory_space<hbm>>
        %dma_start3A_206 = tpu.memref_squeeze %dma_start3A_205 : memref<1x10000x64xf32, #tpu.memory_space<hbm>> -> memref<10000x64xf32, #tpu.memory_space<hbm>>
        %dma_start3A_207 = arith.constant 0 : i32
        %dma_start3A_208 = arith.constant 0 : i32
        %dma_start3A_209 = tpu.memref_slice %dma_start3A_206[%dma_start3A_207, %dma_start3A_208] : memref<10000x64xf32, #tpu.memory_space<hbm>> -> memref<10000x64xf32, #tpu.memory_space<hbm>>
        tpu.enqueue_indirect_dma source(%dma_start3A_209 : memref<10000x64xf32, #tpu.memory_space<hbm>>) target(%arg8 : memref<128x64xf32, #tpu.memory_space<vmem>>) offsets(%dma_start3A_202 : memref<128xi32, #tpu.memory_space<vmem>>) semaphore(%arg14 : memref<!tpu.dma_semaphore, #tpu.memory_space<semaphore_mem>>)
      } else {
      }
      %mul3A_165 = arith.constant 4 : i32
      %mul3A_166 = arith.muli %mul3A_165, %add3A_59 : i32
      %add3A_167 = arith.constant 3 : i32
      %add3A_168 = arith.addi %mul3A_166, %add3A_167 : i32
      %dma_wait3A_169 = arith.constant 0 : i32
      %dma_wait3A_170 = arith.constant 0 : i32
      %dma_wait3A_171 = tpu.memref_slice %arg6[%dma_wait3A_169, %dma_wait3A_170] : memref<160x128xi32, #tpu.memory_space<vmem>> -> memref<1x128xi32, #tpu.memory_space<vmem>>
      %dma_wait3A_172 = tpu.memref_squeeze %dma_wait3A_171 : memref<1x128xi32, #tpu.memory_space<vmem>> -> memref<128xi32, #tpu.memory_space<vmem>>
      %dma_wait3A_173 = arith.constant 0 : i32
      %dma_wait3A_174 = arith.constant 0 : i32
      %dma_wait3A_175 = tpu.memref_slice %arg2[%arg0, %dma_wait3A_173, %dma_wait3A_174] : memref<2x10000x64xf32, #tpu.memory_space<hbm>> -> memref<1x10000x64xf32, #tpu.memory_space<hbm>>
      %dma_wait3A_176 = tpu.memref_squeeze %dma_wait3A_175 : memref<1x10000x64xf32, #tpu.memory_space<hbm>> -> memref<10000x64xf32, #tpu.memory_space<hbm>>
      %dma_wait3A_177 = arith.constant 0 : i32
      %dma_wait3A_178 = arith.constant 0 : i32
      %dma_wait3A_179 = tpu.memref_slice %dma_wait3A_176[%dma_wait3A_177, %dma_wait3A_178] : memref<10000x64xf32, #tpu.memory_space<hbm>> -> memref<10000x64xf32, #tpu.memory_space<hbm>>
      tpu.wait_indirect_dma semaphore(%arg17 : memref<!tpu.dma_semaphore, #tpu.memory_space<semaphore_mem>>) src(%dma_wait3A_179 : memref<10000x64xf32, #tpu.memory_space<hbm>>) dst(%arg11 : memref<128x64xf32, #tpu.memory_space<vmem>>)
      %dma_start3A_180 = arith.constant 0 : i32
      %dma_start3A_181 = tpu.memref_slice %arg7[%add3A_168, %dma_start3A_180] : memref<160x128xi32, #tpu.memory_space<vmem>> -> memref<1x128xi32, #tpu.memory_space<vmem>>
      %dma_start3A_182 = tpu.memref_squeeze %dma_start3A_181 : memref<1x128xi32, #tpu.memory_space<vmem>> -> memref<128xi32, #tpu.memory_space<vmem>>
      %dma_start3A_183 = arith.constant 0 : i32
      %dma_start3A_184 = arith.constant 0 : i32
      %dma_start3A_185 = tpu.memref_slice %arg13[%dma_start3A_183, %dma_start3A_184] : memref<10112x64xf32, #tpu.memory_space<vmem_shared>> -> memref<10112x64xf32, #tpu.memory_space<vmem_shared>>
      tpu.enqueue_indirect_dma source(%arg11 : memref<128x64xf32, #tpu.memory_space<vmem>>) target(%dma_start3A_185 : memref<10112x64xf32, #tpu.memory_space<vmem_shared>>) offsets(%dma_start3A_182 : memref<128xi32, #tpu.memory_space<vmem>>) semaphore(%arg21 : memref<!tpu.dma_semaphore, #tpu.memory_space<semaphore_mem>>) {add = true}
      %dma_wait3A_186 = arith.constant 0 : i32
      %dma_wait3A_187 = arith.constant 0 : i32
      %dma_wait3A_188 = tpu.memref_slice %arg7[%dma_wait3A_186, %dma_wait3A_187] : memref<160x128xi32, #tpu.memory_space<vmem>> -> memref<1x128xi32, #tpu.memory_space<vmem>>
      %dma_wait3A_189 = tpu.memref_squeeze %dma_wait3A_188 : memref<1x128xi32, #tpu.memory_space<vmem>> -> memref<128xi32, #tpu.memory_space<vmem>>
      %dma_wait3A_190 = arith.constant 0 : i32
      %dma_wait3A_191 = arith.constant 0 : i32
      %dma_wait3A_192 = tpu.memref_slice %arg13[%dma_wait3A_190, %dma_wait3A_191] : memref<10112x64xf32, #tpu.memory_space<vmem_shared>> -> memref<10112x64xf32, #tpu.memory_space<vmem_shared>>
      tpu.wait_indirect_dma semaphore(%arg19 : memref<!tpu.dma_semaphore, #tpu.memory_space<semaphore_mem>>) src(%arg9 : memref<128x64xf32, #tpu.memory_space<vmem>>) dst(%dma_wait3A_192 : memref<10112x64xf32, #tpu.memory_space<vmem_shared>>)
      %lt3A_193 = arith.constant 39 : i32
      %lt3A_194 = arith.cmpi slt, %add3A_59, %lt3A_193 : i32
      %convert_element_type3A_195 = arith.extui %lt3A_194 : i1 to i32
      %cond3A_196 = arith.constant 0 : i32
      %cond3A_197 = arith.cmpi ne, %convert_element_type3A_195, %cond3A_196 : i32
      scf.if %cond3A_197 {
        %add3A_198 = arith.constant 2 : i32
        %add3A_199 = arith.addi %add3A_168, %add3A_198 : i32
        %dma_start3A_200 = arith.constant 0 : i32
        %dma_start3A_201 = tpu.memref_slice %arg6[%add3A_199, %dma_start3A_200] : memref<160x128xi32, #tpu.memory_space<vmem>> -> memref<1x128xi32, #tpu.memory_space<vmem>>
        %dma_start3A_202 = tpu.memref_squeeze %dma_start3A_201 : memref<1x128xi32, #tpu.memory_space<vmem>> -> memref<128xi32, #tpu.memory_space<vmem>>
        %dma_start3A_203 = arith.constant 0 : i32
        %dma_start3A_204 = arith.constant 0 : i32
        %dma_start3A_205 = tpu.memref_slice %arg2[%arg0, %dma_start3A_203, %dma_start3A_204] : memref<2x10000x64xf32, #tpu.memory_space<hbm>> -> memref<1x10000x64xf32, #tpu.memory_space<hbm>>
        %dma_start3A_206 = tpu.memref_squeeze %dma_start3A_205 : memref<1x10000x64xf32, #tpu.memory_space<hbm>> -> memref<10000x64xf32, #tpu.memory_space<hbm>>
        %dma_start3A_207 = arith.constant 0 : i32
        %dma_start3A_208 = arith.constant 0 : i32
        %dma_start3A_209 = tpu.memref_slice %dma_start3A_206[%dma_start3A_207, %dma_start3A_208] : memref<10000x64xf32, #tpu.memory_space<hbm>> -> memref<10000x64xf32, #tpu.memory_space<hbm>>
        tpu.enqueue_indirect_dma source(%dma_start3A_209 : memref<10000x64xf32, #tpu.memory_space<hbm>>) target(%arg9 : memref<128x64xf32, #tpu.memory_space<vmem>>) offsets(%dma_start3A_202 : memref<128xi32, #tpu.memory_space<vmem>>) semaphore(%arg15 : memref<!tpu.dma_semaphore, #tpu.memory_space<semaphore_mem>>)
      } else {
      }
    }
    %scan3A_36 = arith.constant 40 : i32
    %dma_wait3A = arith.constant 0 : i32
    %dma_wait3A_37 = arith.constant 0 : i32
    %dma_wait3A_38 = tpu.memref_slice %arg7[%dma_wait3A, %dma_wait3A_37] : memref<160x128xi32, #tpu.memory_space<vmem>> -> memref<1x128xi32, #tpu.memory_space<vmem>>
    %dma_wait3A_39 = tpu.memref_squeeze %dma_wait3A_38 : memref<1x128xi32, #tpu.memory_space<vmem>> -> memref<128xi32, #tpu.memory_space<vmem>>
    %dma_wait3A_40 = arith.constant 0 : i32
    %dma_wait3A_41 = arith.constant 0 : i32
    %dma_wait3A_42 = tpu.memref_slice %arg13[%dma_wait3A_40, %dma_wait3A_41] : memref<10112x64xf32, #tpu.memory_space<vmem_shared>> -> memref<10112x64xf32, #tpu.memory_space<vmem_shared>>
    tpu.wait_indirect_dma semaphore(%arg20 : memref<!tpu.dma_semaphore, #tpu.memory_space<semaphore_mem>>) src(%arg10 : memref<128x64xf32, #tpu.memory_space<vmem>>) dst(%dma_wait3A_42 : memref<10112x64xf32, #tpu.memory_space<vmem_shared>>)
    %dma_wait3A_43 = arith.constant 0 : i32
    %dma_wait3A_44 = arith.constant 0 : i32
    %dma_wait3A_45 = tpu.memref_slice %arg7[%dma_wait3A_43, %dma_wait3A_44] : memref<160x128xi32, #tpu.memory_space<vmem>> -> memref<1x128xi32, #tpu.memory_space<vmem>>
    %dma_wait3A_46 = tpu.memref_squeeze %dma_wait3A_45 : memref<1x128xi32, #tpu.memory_space<vmem>> -> memref<128xi32, #tpu.memory_space<vmem>>
    %dma_wait3A_47 = arith.constant 0 : i32
    %dma_wait3A_48 = arith.constant 0 : i32
    %dma_wait3A_49 = tpu.memref_slice %arg13[%dma_wait3A_47, %dma_wait3A_48] : memref<10112x64xf32, #tpu.memory_space<vmem_shared>> -> memref<10112x64xf32, #tpu.memory_space<vmem_shared>>
    tpu.wait_indirect_dma semaphore(%arg21 : memref<!tpu.dma_semaphore, #tpu.memory_space<semaphore_mem>>) src(%arg11 : memref<128x64xf32, #tpu.memory_space<vmem>>) dst(%dma_wait3A_49 : memref<10112x64xf32, #tpu.memory_space<vmem_shared>>)
    %barrier3A_50 = arith.constant 0 : index
    tpu.barrier barrier_id(%barrier3A_50)
    %mul3A_51 = arith.constant 632 : i32
    %mul3A_52 = arith.muli %arg1, %mul3A_51 : i32
    %mul3A_53 = arith.constant 632 : i32
    %mul3A_54 = arith.muli %arg1, %mul3A_53 : i32
    "tpu.region"() ({
      %run_scoped3A = tpu.sem_alloc : memref<!tpu.dma_semaphore, #tpu.memory_space<semaphore_mem>>
      %dma_start3A_55 = arith.constant 0 : i32
      %dma_start3A_56 = arith.constant 0 : i32
      %dma_start3A_57 = tpu.memref_slice %arg5[%arg0, %dma_start3A_55, %dma_start3A_56] : memref<2x10112x64xf32, #tpu.memory_space<hbm>> -> memref<1x10112x64xf32, #tpu.memory_space<hbm>>
      %dma_start3A_58 = tpu.memref_squeeze %dma_start3A_57 : memref<1x10112x64xf32, #tpu.memory_space<hbm>> -> memref<10112x64xf32, #tpu.memory_space<hbm>>
      %dma_start3A_59 = arith.constant 0 : i32
      %dma_start3A_60 = tpu.memref_slice %dma_start3A_58[%mul3A_54, %dma_start3A_59] : memref<10112x64xf32, #tpu.memory_space<hbm>> -> memref<632x64xf32, #tpu.memory_space<hbm>>
      %dma_start3A_61 = arith.constant 0 : i32
      %dma_start3A_62 = tpu.memref_slice %arg13[%mul3A_52, %dma_start3A_61] : memref<10112x64xf32, #tpu.memory_space<vmem_shared>> -> memref<632x64xf32, #tpu.memory_space<vmem_shared>>
      tpu.enqueue_dma source(%dma_start3A_62 : memref<632x64xf32, #tpu.memory_space<vmem_shared>>) target(%dma_start3A_60 : memref<632x64xf32, #tpu.memory_space<hbm>>) target_semaphore(%run_scoped3A : memref<!tpu.dma_semaphore, #tpu.memory_space<semaphore_mem>>)
      %dma_wait3A_63 = arith.constant 0 : i32
      %dma_wait3A_64 = arith.constant 0 : i32
      %dma_wait3A_65 = tpu.memref_slice %arg5[%arg0, %dma_wait3A_63, %dma_wait3A_64] : memref<2x10112x64xf32, #tpu.memory_space<hbm>> -> memref<1x10112x64xf32, #tpu.memory_space<hbm>>
      %dma_wait3A_66 = tpu.memref_squeeze %dma_wait3A_65 : memref<1x10112x64xf32, #tpu.memory_space<hbm>> -> memref<10112x64xf32, #tpu.memory_space<hbm>>
      %dma_wait3A_67 = arith.constant 0 : i32
      %dma_wait3A_68 = tpu.memref_slice %dma_wait3A_66[%mul3A_54, %dma_wait3A_67] : memref<10112x64xf32, #tpu.memory_space<hbm>> -> memref<632x64xf32, #tpu.memory_space<hbm>>
      %dma_wait3A_69 = arith.constant 0 : i32
      %dma_wait3A_70 = tpu.memref_slice %arg13[%mul3A_52, %dma_wait3A_69] : memref<10112x64xf32, #tpu.memory_space<vmem_shared>> -> memref<632x64xf32, #tpu.memory_space<vmem_shared>>
      tpu.wait_dma2 semaphore(%run_scoped3A : memref<!tpu.dma_semaphore, #tpu.memory_space<semaphore_mem>>) src(%dma_wait3A_70 : memref<632x64xf32, #tpu.memory_space<vmem_shared>>) dst(%dma_wait3A_68 : memref<632x64xf32, #tpu.memory_space<hbm>>)
      tpu.yield
    }) : () -> ()
    return
  }
}

#map = affine_map<(d0, d1) -> (0, 0, 0)>
module attributes {stable_mosaic.version = 14 : i64} {
  func.func @k(%arg0: i32, %arg1: i32, %arg2: memref<2x10000x64xf32, #tpu.memory_space<hbm>>, %arg3: memref<16x160x128xi32, #tpu.memory_space<hbm>>, %arg4: memref<16x160x128xi32, #tpu.memory_space<hbm>>, %arg5: memref<2x10112x64xf32, #tpu.memory_space<hbm>>, %arg6: memref<160x128xi32, #tpu.memory_space<vmem>>, %arg7: memref<160x128xi32, #tpu.memory_space<vmem>>, %arg8: memref<128x64xf32, #tpu.memory_space<vmem>>, %arg9: memref<128x64xf32, #tpu.memory_space<vmem>>, %arg10: memref<128x64xf32, #tpu.memory_space<vmem>>, %arg11: memref<128x64xf32, #tpu.memory_space<vmem>>, %arg12: memref<128x64xf32, #tpu.memory_space<vmem>>, %arg13: memref<10112x64xf32, #tpu.memory_space<vmem_shared>>, %arg14: memref<!tpu.dma_semaphore, #tpu.memory_space<semaphore_mem>>, %arg15: memref<!tpu.dma_semaphore, #tpu.memory_space<semaphore_mem>>, %arg16: memref<!tpu.dma_semaphore, #tpu.memory_space<semaphore_mem>>, %arg17: memref<!tpu.dma_semaphore, #tpu.memory_space<semaphore_mem>>, %arg18: memref<!tpu.dma_semaphore, #tpu.memory_space<semaphore_mem>>, %arg19: memref<!tpu.dma_semaphore, #tpu.memory_space<semaphore_mem>>, %arg20: memref<!tpu.dma_semaphore, #tpu.memory_space<semaphore_mem>>, %arg21: memref<!tpu.dma_semaphore, #tpu.memory_space<semaphore_mem>>) attributes {dimension_semantics = [#tpu.dimension_semantics<core_parallel>, #tpu.dimension_semantics<subcore_parallel>], iteration_bounds = array<i64: 2, 16>, scalar_prefetch = 0 : i64, scratch_operands = 16 : i64, tpu.core_type = #tpu.core_type<sc_vector_subcore>, window_params = [{transform_indices = #map}, {transform_indices = #map}, {transform_indices = #map}, {transform_indices = #map}]} {
    "tpu.region"() ({
      %run_scoped3A = tpu.sem_alloc : memref<!tpu.dma_semaphore, #tpu.memory_space<semaphore_mem>>
      %dma_start3A_55 = arith.constant 0 : i32
      %dma_start3A_56 = arith.constant 0 : i32
      %dma_start3A_57 = tpu.memref_slice %arg3[%arg1, %dma_start3A_55, %dma_start3A_56] : memref<16x160x128xi32, #tpu.memory_space<hbm>> -> memref<1x160x128xi32, #tpu.memory_space<hbm>>
      %dma_start3A_58 = tpu.memref_squeeze %dma_start3A_57 : memref<1x160x128xi32, #tpu.memory_space<hbm>> -> memref<160x128xi32, #tpu.memory_space<hbm>>
      %dma_start3A_59 = arith.constant 0 : i32
      %dma_start3A_60 = arith.constant 0 : i32
      %dma_start3A_61 = tpu.memref_slice %arg3[%arg1, %dma_start3A_59, %dma_start3A_60] : memref<16x160x128xi32, #tpu.memory_space<hbm>> -> memref<1x160x128xi32, #tpu.memory_space<hbm>>
      %dma_start3A_62 = tpu.memref_squeeze %dma_start3A_61 : memref<1x160x128xi32, #tpu.memory_space<hbm>> -> memref<160x128xi32, #tpu.memory_space<hbm>>
      tpu.enqueue_dma source(%dma_start3A_62 : memref<160x128xi32, #tpu.memory_space<hbm>>) target(%arg6 : memref<160x128xi32, #tpu.memory_space<vmem>>) target_semaphore(%run_scoped3A : memref<!tpu.dma_semaphore, #tpu.memory_space<semaphore_mem>>)
      %dma_wait3A_63 = arith.constant 0 : i32
      %dma_wait3A_64 = arith.constant 0 : i32
      %dma_wait3A_65 = tpu.memref_slice %arg3[%arg1, %dma_wait3A_63, %dma_wait3A_64] : memref<16x160x128xi32, #tpu.memory_space<hbm>> -> memref<1x160x128xi32, #tpu.memory_space<hbm>>
      %dma_wait3A_66 = tpu.memref_squeeze %dma_wait3A_65 : memref<1x160x128xi32, #tpu.memory_space<hbm>> -> memref<160x128xi32, #tpu.memory_space<hbm>>
      %dma_wait3A_67 = arith.constant 0 : i32
      %dma_wait3A_68 = arith.constant 0 : i32
      %dma_wait3A_69 = tpu.memref_slice %arg3[%arg1, %dma_wait3A_67, %dma_wait3A_68] : memref<16x160x128xi32, #tpu.memory_space<hbm>> -> memref<1x160x128xi32, #tpu.memory_space<hbm>>
      %dma_wait3A_70 = tpu.memref_squeeze %dma_wait3A_69 : memref<1x160x128xi32, #tpu.memory_space<hbm>> -> memref<160x128xi32, #tpu.memory_space<hbm>>
      tpu.wait_dma2 semaphore(%run_scoped3A : memref<!tpu.dma_semaphore, #tpu.memory_space<semaphore_mem>>) src(%dma_wait3A_70 : memref<160x128xi32, #tpu.memory_space<hbm>>) dst(%arg6 : memref<160x128xi32, #tpu.memory_space<vmem>>)
      tpu.yield
    }) : () -> ()
    "tpu.region"() ({
      %run_scoped3A = tpu.sem_alloc : memref<!tpu.dma_semaphore, #tpu.memory_space<semaphore_mem>>
      %dma_start3A_55 = arith.constant 0 : i32
      %dma_start3A_56 = arith.constant 0 : i32
      %dma_start3A_57 = tpu.memref_slice %arg4[%arg1, %dma_start3A_55, %dma_start3A_56] : memref<16x160x128xi32, #tpu.memory_space<hbm>> -> memref<1x160x128xi32, #tpu.memory_space<hbm>>
      %dma_start3A_58 = tpu.memref_squeeze %dma_start3A_57 : memref<1x160x128xi32, #tpu.memory_space<hbm>> -> memref<160x128xi32, #tpu.memory_space<hbm>>
      %dma_start3A_59 = arith.constant 0 : i32
      %dma_start3A_60 = arith.constant 0 : i32
      %dma_start3A_61 = tpu.memref_slice %arg4[%arg1, %dma_start3A_59, %dma_start3A_60] : memref<16x160x128xi32, #tpu.memory_space<hbm>> -> memref<1x160x128xi32, #tpu.memory_space<hbm>>
      %dma_start3A_62 = tpu.memref_squeeze %dma_start3A_61 : memref<1x160x128xi32, #tpu.memory_space<hbm>> -> memref<160x128xi32, #tpu.memory_space<hbm>>
      tpu.enqueue_dma source(%dma_start3A_62 : memref<160x128xi32, #tpu.memory_space<hbm>>) target(%arg7 : memref<160x128xi32, #tpu.memory_space<vmem>>) target_semaphore(%run_scoped3A : memref<!tpu.dma_semaphore, #tpu.memory_space<semaphore_mem>>)
      %dma_wait3A_63 = arith.constant 0 : i32
      %dma_wait3A_64 = arith.constant 0 : i32
      %dma_wait3A_65 = tpu.memref_slice %arg4[%arg1, %dma_wait3A_63, %dma_wait3A_64] : memref<16x160x128xi32, #tpu.memory_space<hbm>> -> memref<1x160x128xi32, #tpu.memory_space<hbm>>
      %dma_wait3A_66 = tpu.memref_squeeze %dma_wait3A_65 : memref<1x160x128xi32, #tpu.memory_space<hbm>> -> memref<160x128xi32, #tpu.memory_space<hbm>>
      %dma_wait3A_67 = arith.constant 0 : i32
      %dma_wait3A_68 = arith.constant 0 : i32
      %dma_wait3A_69 = tpu.memref_slice %arg4[%arg1, %dma_wait3A_67, %dma_wait3A_68] : memref<16x160x128xi32, #tpu.memory_space<hbm>> -> memref<1x160x128xi32, #tpu.memory_space<hbm>>
      %dma_wait3A_70 = tpu.memref_squeeze %dma_wait3A_69 : memref<1x160x128xi32, #tpu.memory_space<hbm>> -> memref<160x128xi32, #tpu.memory_space<hbm>>
      tpu.wait_dma2 semaphore(%run_scoped3A : memref<!tpu.dma_semaphore, #tpu.memory_space<semaphore_mem>>) src(%dma_wait3A_70 : memref<160x128xi32, #tpu.memory_space<hbm>>) dst(%arg7 : memref<160x128xi32, #tpu.memory_space<vmem>>)
      tpu.yield
    }) : () -> ()
    %scan3A = arith.constant 0 : i32
    %scan3A_0 = arith.constant 128 : i32
    %scan3A_1 = arith.addi %scan3A, %scan3A_0 : i32
    %scan3A_2 = arith.constant 1 : i32
    scf.for %scan3A_55 = %scan3A to %scan3A_1 step %scan3A_2  : i32 {
      %mul3A_56 = arith.constant 1 : i32
      %mul3A_57 = arith.muli %scan3A_55, %mul3A_56 : i32
      %add3A_58 = arith.constant 0 : i32
      %add3A_59 = arith.addi %add3A_58, %mul3A_57 : i32
      %scan3A_60 = arith.constant 0 : i32
      %scan3A_61 = arith.constant 4 : i32
      %scan3A_62 = arith.addi %scan3A_60, %scan3A_61 : i32
      %scan3A_63 = arith.constant 1 : i32
      scf.for %scan3A_65 = %scan3A_60 to %scan3A_62 step %scan3A_63  : i32 {
        %mul3A_66 = arith.constant 1 : i32
        %mul3A_67 = arith.muli %scan3A_65, %mul3A_66 : i32
        %add3A_68 = arith.constant 0 : i32
        %add3A_69 = arith.addi %add3A_68, %mul3A_67 : i32
        %broadcast_in_dim3A = arith.constant 0.000000e+00 : f32
        %broadcast_in_dim3A_70 = vector.broadcast %broadcast_in_dim3A : f32 to vector<16xf32>
        %mul3A_71 = arith.constant 16 : i32
        %mul3A_72 = arith.muli %add3A_69, %mul3A_71 : i32
        %swap3A = arith.index_cast %add3A_59 : i32 to index
        %swap3A_73 = arith.index_cast %mul3A_72 : i32 to index
        %swap3A_74 = tpu.vector_load %arg12[%swap3A, %swap3A_73] {strides = array<i32>} : memref<128x64xf32, #tpu.memory_space<vmem>>, vector<1x16xf32>,
        %swap3A_75 = vector.shape_cast %swap3A_74 : vector<1x16xf32> to vector<16xf32>
        %swap3A_76 = vector.shape_cast %broadcast_in_dim3A_70 : vector<16xf32> to vector<1x16xf32>
        tpu.vector_store %arg12[%swap3A, %swap3A_73], %swap3A_76 {strides = array<i32>} : memref<128x64xf32, #tpu.memory_space<vmem>>, vector<1x16xf32>,
      }
      %scan3A_64 = arith.constant 4 : i32
    }
    %scan3A_3 = arith.constant 128 : i32
    %scan3A_4 = arith.constant 0 : i32
    %scan3A_5 = arith.constant 4 : i32
    %scan3A_6 = arith.addi %scan3A_4, %scan3A_5 : i32
    %scan3A_7 = arith.constant 1 : i32
    scf.for %scan3A_55 = %scan3A_4 to %scan3A_6 step %scan3A_7  : i32 {
      %mul3A_56 = arith.constant 1 : i32
      %mul3A_57 = arith.muli %scan3A_55, %mul3A_56 : i32
      %add3A_58 = arith.constant 0 : i32
      %add3A_59 = arith.addi %add3A_58, %mul3A_57 : i32
      %mul3A_60 = arith.constant 632 : i32
      %mul3A_61 = arith.muli %arg1, %mul3A_60 : i32
      %mul3A_62 = arith.constant 128 : i32
      %mul3A_63 = arith.muli %add3A_59, %mul3A_62 : i32
      %add3A_64 = arith.addi %mul3A_61, %mul3A_63 : i32
      "tpu.region"() ({
        %run_scoped3A = tpu.sem_alloc : memref<!tpu.dma_semaphore, #tpu.memory_space<semaphore_mem>>
        %dma_start3A_65 = arith.constant 0 : i32
        %dma_start3A_66 = tpu.memref_slice %arg13[%add3A_64, %dma_start3A_65] : memref<10112x64xf32, #tpu.memory_space<vmem_shared>> -> memref<128x64xf32, #tpu.memory_space<vmem_shared>>
        %dma_start3A_67 = arith.constant 0 : i32
        %dma_start3A_68 = tpu.memref_slice %arg13[%add3A_64, %dma_start3A_67] : memref<10112x64xf32, #tpu.memory_space<vmem_shared>> -> memref<128x64xf32, #tpu.memory_space<vmem_shared>>
        tpu.enqueue_dma source(%arg12 : memref<128x64xf32, #tpu.memory_space<vmem>>) target(%dma_start3A_68 : memref<128x64xf32, #tpu.memory_space<vmem_shared>>) target_semaphore(%run_scoped3A : memref<!tpu.dma_semaphore, #tpu.memory_space<semaphore_mem>>)
        %dma_wait3A_69 = arith.constant 0 : i32
        %dma_wait3A_70 = tpu.memref_slice %arg13[%add3A_64, %dma_wait3A_69] : memref<10112x64xf32, #tpu.memory_space<vmem_shared>> -> memref<128x64xf32, #tpu.memory_space<vmem_shared>>
        %dma_wait3A_71 = arith.constant 0 : i32
        %dma_wait3A_72 = tpu.memref_slice %arg13[%add3A_64, %dma_wait3A_71] : memref<10112x64xf32, #tpu.memory_space<vmem_shared>> -> memref<128x64xf32, #tpu.memory_space<vmem_shared>>
        tpu.wait_dma2 semaphore(%run_scoped3A : memref<!tpu.dma_semaphore, #tpu.memory_space<semaphore_mem>>) src(%arg12 : memref<128x64xf32, #tpu.memory_space<vmem>>) dst(%dma_wait3A_72 : memref<128x64xf32, #tpu.memory_space<vmem_shared>>)
        tpu.yield
      }) : () -> ()
    }
    %scan3A_8 = arith.constant 4 : i32
    %mul3A = arith.constant 632 : i32
    %mul3A_9 = arith.muli %arg1, %mul3A : i32
    %add3A = arith.constant 512 : i32
    %add3A_10 = arith.addi %mul3A_9, %add3A : i32
    "tpu.region"() ({
      %run_scoped3A = tpu.sem_alloc : memref<!tpu.dma_semaphore, #tpu.memory_space<semaphore_mem>>
      %dma_start3A_55 = arith.constant 0 : i32
      %dma_start3A_56 = arith.constant 0 : i32
      %dma_start3A_57 = tpu.memref_slice %arg12[%dma_start3A_55, %dma_start3A_56] : memref<128x64xf32, #tpu.memory_space<vmem>> -> memref<120x64xf32, #tpu.memory_space<vmem>>
      %dma_start3A_58 = arith.constant 0 : i32
      %dma_start3A_59 = tpu.memref_slice %arg13[%add3A_10, %dma_start3A_58] : memref<10112x64xf32, #tpu.memory_space<vmem_shared>> -> memref<120x64xf32, #tpu.memory_space<vmem_shared>>
      %dma_start3A_60 = arith.constant 0 : i32
      %dma_start3A_61 = tpu.memref_slice %arg13[%add3A_10, %dma_start3A_60] : memref<10112x64xf32, #tpu.memory_space<vmem_shared>> -> memref<120x64xf32, #tpu.memory_space<vmem_shared>>
      %dma_start3A_62 = arith.constant 0 : i32
      %dma_start3A_63 = arith.constant 0 : i32
      %dma_start3A_64 = tpu.memref_slice %arg12[%dma_start3A_62, %dma_start3A_63] : memref<128x64xf32, #tpu.memory_space<vmem>> -> memref<120x64xf32, #tpu.memory_space<vmem>>
      tpu.enqueue_dma source(%dma_start3A_64 : memref<120x64xf32, #tpu.memory_space<vmem>>) target(%dma_start3A_61 : memref<120x64xf32, #tpu.memory_space<vmem_shared>>) target_semaphore(%run_scoped3A : memref<!tpu.dma_semaphore, #tpu.memory_space<semaphore_mem>>)
      %dma_wait3A_65 = arith.constant 0 : i32
      %dma_wait3A_66 = arith.constant 0 : i32
      %dma_wait3A_67 = tpu.memref_slice %arg12[%dma_wait3A_65, %dma_wait3A_66] : memref<128x64xf32, #tpu.memory_space<vmem>> -> memref<120x64xf32, #tpu.memory_space<vmem>>
      %dma_wait3A_68 = arith.constant 0 : i32
      %dma_wait3A_69 = tpu.memref_slice %arg13[%add3A_10, %dma_wait3A_68] : memref<10112x64xf32, #tpu.memory_space<vmem_shared>> -> memref<120x64xf32, #tpu.memory_space<vmem_shared>>
      %dma_wait3A_70 = arith.constant 0 : i32
      %dma_wait3A_71 = tpu.memref_slice %arg13[%add3A_10, %dma_wait3A_70] : memref<10112x64xf32, #tpu.memory_space<vmem_shared>> -> memref<120x64xf32, #tpu.memory_space<vmem_shared>>
      %dma_wait3A_72 = arith.constant 0 : i32
      %dma_wait3A_73 = arith.constant 0 : i32
      %dma_wait3A_74 = tpu.memref_slice %arg12[%dma_wait3A_72, %dma_wait3A_73] : memref<128x64xf32, #tpu.memory_space<vmem>> -> memref<120x64xf32, #tpu.memory_space<vmem>>
      tpu.wait_dma2 semaphore(%run_scoped3A : memref<!tpu.dma_semaphore, #tpu.memory_space<semaphore_mem>>) src(%dma_wait3A_74 : memref<120x64xf32, #tpu.memory_space<vmem>>) dst(%dma_wait3A_71 : memref<120x64xf32, #tpu.memory_space<vmem_shared>>)
      tpu.yield
    }) : () -> ()
    %barrier3A = arith.constant 0 : index
    tpu.barrier barrier_id(%barrier3A)
    %dma_start3A = arith.constant 0 : i32
    %dma_start3A_11 = arith.constant 0 : i32
    %dma_start3A_12 = tpu.memref_slice %arg6[%dma_start3A, %dma_start3A_11] : memref<160x128xi32, #tpu.memory_space<vmem>> -> memref<1x128xi32, #tpu.memory_space<vmem>>
    %dma_start3A_13 = tpu.memref_squeeze %dma_start3A_12 : memref<1x128xi32, #tpu.memory_space<vmem>> -> memref<128xi32, #tpu.memory_space<vmem>>
    %dma_start3A_14 = arith.constant 0 : i32
    %dma_start3A_15 = arith.constant 0 : i32
    %dma_start3A_16 = tpu.memref_slice %arg2[%arg0, %dma_start3A_14, %dma_start3A_15] : memref<2x10000x64xf32, #tpu.memory_space<hbm>> -> memref<1x10000x64xf32, #tpu.memory_space<hbm>>
    %dma_start3A_17 = tpu.memref_squeeze %dma_start3A_16 : memref<1x10000x64xf32, #tpu.memory_space<hbm>> -> memref<10000x64xf32, #tpu.memory_space<hbm>>
    %dma_start3A_18 = arith.constant 0 : i32
    %dma_start3A_19 = arith.constant 0 : i32
    %dma_start3A_20 = tpu.memref_slice %dma_start3A_17[%dma_start3A_18, %dma_start3A_19] : memref<10000x64xf32, #tpu.memory_space<hbm>> -> memref<10000x64xf32, #tpu.memory_space<hbm>>
    tpu.enqueue_indirect_dma source(%dma_start3A_20 : memref<10000x64xf32, #tpu.memory_space<hbm>>) target(%arg8 : memref<128x64xf32, #tpu.memory_space<vmem>>) offsets(%dma_start3A_13 : memref<128xi32, #tpu.memory_space<vmem>>) semaphore(%arg14 : memref<!tpu.dma_semaphore, #tpu.memory_space<semaphore_mem>>)
    %dma_start3A_21 = arith.constant 1 : i32
    %dma_start3A_22 = arith.constant 0 : i32
    %dma_start3A_23 = tpu.memref_slice %arg6[%dma_start3A_21, %dma_start3A_22] : memref<160x128xi32, #tpu.memory_space<vmem>> -> memref<1x128xi32, #tpu.memory_space<vmem>>
    %dma_start3A_24 = tpu.memref_squeeze %dma_start3A_23 : memref<1x128xi32, #tpu.memory_space<vmem>> -> memref<128xi32, #tpu.memory_space<vmem>>
    %dma_start3A_25 = arith.constant 0 : i32
    %dma_start3A_26 = arith.constant 0 : i32
    %dma_start3A_27 = tpu.memref_slice %arg2[%arg0, %dma_start3A_25, %dma_start3A_26] : memref<2x10000x64xf32, #tpu.memory_space<hbm>> -> memref<1x10000x64xf32, #tpu.memory_space<hbm>>
    %dma_start3A_28 = tpu.memref_squeeze %dma_start3A_27 : memref<1x10000x64xf32, #tpu.memory_space<hbm>> -> memref<10000x64xf32, #tpu.memory_space<hbm>>
    %dma_start3A_29 = arith.constant 0 : i32
    %dma_start3A_30 = arith.constant 0 : i32
    %dma_start3A_31 = tpu.memref_slice %dma_start3A_28[%dma_start3A_29, %dma_start3A_30] : memref<10000x64xf32, #tpu.memory_space<hbm>> -> memref<10000x64xf32, #tpu.memory_space<hbm>>
    tpu.enqueue_indirect_dma source(%dma_start3A_31 : memref<10000x64xf32, #tpu.memory_space<hbm>>) target(%arg9 : memref<128x64xf32, #tpu.memory_space<vmem>>) offsets(%dma_start3A_24 : memref<128xi32, #tpu.memory_space<vmem>>) semaphore(%arg15 : memref<!tpu.dma_semaphore, #tpu.memory_space<semaphore_mem>>)
    %scan3A_32 = arith.constant 0 : i32
    %scan3A_33 = arith.constant 40 : i32
    %scan3A_34 = arith.addi %scan3A_32, %scan3A_33 : i32
    %scan3A_35 = arith.constant 1 : i32
    scf.for %scan3A_55 = %scan3A_32 to %scan3A_34 step %scan3A_35  : i32 {
      %mul3A_56 = arith.constant 1 : i32
      %mul3A_57 = arith.muli %scan3A_55, %mul3A_56 : i32
      %add3A_58 = arith.constant 0 : i32
      %add3A_59 = arith.addi %add3A_58, %mul3A_57 : i32
      %mul3A_60 = arith.constant 4 : i32
      %mul3A_61 = arith.muli %mul3A_60, %add3A_59 : i32
      %add3A_62 = arith.constant 0 : i32
      %add3A_63 = arith.addi %mul3A_61, %add3A_62 : i32
      %dma_wait3A_64 = arith.constant 0 : i32
      %dma_wait3A_65 = arith.constant 0 : i32
      %dma_wait3A_66 = tpu.memref_slice %arg6[%dma_wait3A_64, %dma_wait3A_65] : memref<160x128xi32, #tpu.memory_space<vmem>> -> memref<1x128xi32, #tpu.memory_space<vmem>>
      %dma_wait3A_67 = tpu.memref_squeeze %dma_wait3A_66 : memref<1x128xi32, #tpu.memory_space<vmem>> -> memref<128xi32, #tpu.memory_space<vmem>>
      %dma_wait3A_68 = arith.constant 0 : i32
      %dma_wait3A_69 = arith.constant 0 : i32
      %dma_wait3A_70 = tpu.memref_slice %arg2[%arg0, %dma_wait3A_68, %dma_wait3A_69] : memref<2x10000x64xf32, #tpu.memory_space<hbm>> -> memref<1x10000x64xf32, #tpu.memory_space<hbm>>
      %dma_wait3A_71 = tpu.memref_squeeze %dma_wait3A_70 : memref<1x10000x64xf32, #tpu.memory_space<hbm>> -> memref<10000x64xf32, #tpu.memory_space<hbm>>
      %dma_wait3A_72 = arith.constant 0 : i32
      %dma_wait3A_73 = arith.constant 0 : i32
      %dma_wait3A_74 = tpu.memref_slice %dma_wait3A_71[%dma_wait3A_72, %dma_wait3A_73] : memref<10000x64xf32, #tpu.memory_space<hbm>> -> memref<10000x64xf32, #tpu.memory_space<hbm>>
      tpu.wait_indirect_dma semaphore(%arg14 : memref<!tpu.dma_semaphore, #tpu.memory_space<semaphore_mem>>) src(%dma_wait3A_74 : memref<10000x64xf32, #tpu.memory_space<hbm>>) dst(%arg8 : memref<128x64xf32, #tpu.memory_space<vmem>>)
      %dma_start3A_75 = arith.constant 0 : i32
      %dma_start3A_76 = tpu.memref_slice %arg7[%add3A_63, %dma_start3A_75] : memref<160x128xi32, #tpu.memory_space<vmem>> -> memref<1x128xi32, #tpu.memory_space<vmem>>
      %dma_start3A_77 = tpu.memref_squeeze %dma_start3A_76 : memref<1x128xi32, #tpu.memory_space<vmem>> -> memref<128xi32, #tpu.memory_space<vmem>>
      %dma_start3A_78 = arith.constant 0 : i32
      %dma_start3A_79 = arith.constant 0 : i32
      %dma_start3A_80 = tpu.memref_slice %arg13[%dma_start3A_78, %dma_start3A_79] : memref<10112x64xf32, #tpu.memory_space<vmem_shared>> -> memref<10112x64xf32, #tpu.memory_space<vmem_shared>>
      tpu.enqueue_indirect_dma source(%arg8 : memref<128x64xf32, #tpu.memory_space<vmem>>) target(%dma_start3A_80 : memref<10112x64xf32, #tpu.memory_space<vmem_shared>>) offsets(%dma_start3A_77 : memref<128xi32, #tpu.memory_space<vmem>>) semaphore(%arg18 : memref<!tpu.dma_semaphore, #tpu.memory_space<semaphore_mem>>) {add = true}
      %gt3A = arith.constant 0 : i32
      %gt3A_81 = arith.cmpi sgt, %add3A_59, %gt3A : i32
      %convert_element_type3A = arith.extui %gt3A_81 : i1 to i32
      %cond3A = arith.constant 0 : i32
      %cond3A_82 = arith.cmpi ne, %convert_element_type3A, %cond3A : i32
      scf.if %cond3A_82 {
        %dma_wait3A_198 = arith.constant 0 : i32
        %dma_wait3A_199 = arith.constant 0 : i32
        %dma_wait3A_200 = tpu.memref_slice %arg7[%dma_wait3A_198, %dma_wait3A_199] : memref<160x128xi32, #tpu.memory_space<vmem>> -> memref<1x128xi32, #tpu.memory_space<vmem>>
        %dma_wait3A_201 = tpu.memref_squeeze %dma_wait3A_200 : memref<1x128xi32, #tpu.memory_space<vmem>> -> memref<128xi32, #tpu.memory_space<vmem>>
        %dma_wait3A_202 = arith.constant 0 : i32
        %dma_wait3A_203 = arith.constant 0 : i32
        %dma_wait3A_204 = tpu.memref_slice %arg13[%dma_wait3A_202, %dma_wait3A_203] : memref<10112x64xf32, #tpu.memory_space<vmem_shared>> -> memref<10112x64xf32, #tpu.memory_space<vmem_shared>>
        tpu.wait_indirect_dma semaphore(%arg20 : memref<!tpu.dma_semaphore, #tpu.memory_space<semaphore_mem>>) src(%arg10 : memref<128x64xf32, #tpu.memory_space<vmem>>) dst(%dma_wait3A_204 : memref<10112x64xf32, #tpu.memory_space<vmem_shared>>)
      } else {
      }
      %add3A_83 = arith.constant 2 : i32
      %add3A_84 = arith.addi %add3A_63, %add3A_83 : i32
      %dma_start3A_85 = arith.constant 0 : i32
      %dma_start3A_86 = tpu.memref_slice %arg6[%add3A_84, %dma_start3A_85] : memref<160x128xi32, #tpu.memory_space<vmem>> -> memref<1x128xi32, #tpu.memory_space<vmem>>
      %dma_start3A_87 = tpu.memref_squeeze %dma_start3A_86 : memref<1x128xi32, #tpu.memory_space<vmem>> -> memref<128xi32, #tpu.memory_space<vmem>>
      %dma_start3A_88 = arith.constant 0 : i32
      %dma_start3A_89 = arith.constant 0 : i32
      %dma_start3A_90 = tpu.memref_slice %arg2[%arg0, %dma_start3A_88, %dma_start3A_89] : memref<2x10000x64xf32, #tpu.memory_space<hbm>> -> memref<1x10000x64xf32, #tpu.memory_space<hbm>>
      %dma_start3A_91 = tpu.memref_squeeze %dma_start3A_90 : memref<1x10000x64xf32, #tpu.memory_space<hbm>> -> memref<10000x64xf32, #tpu.memory_space<hbm>>
      %dma_start3A_92 = arith.constant 0 : i32
      %dma_start3A_93 = arith.constant 0 : i32
      %dma_start3A_94 = tpu.memref_slice %dma_start3A_91[%dma_start3A_92, %dma_start3A_93] : memref<10000x64xf32, #tpu.memory_space<hbm>> -> memref<10000x64xf32, #tpu.memory_space<hbm>>
      tpu.enqueue_indirect_dma source(%dma_start3A_94 : memref<10000x64xf32, #tpu.memory_space<hbm>>) target(%arg10 : memref<128x64xf32, #tpu.memory_space<vmem>>) offsets(%dma_start3A_87 : memref<128xi32, #tpu.memory_space<vmem>>) semaphore(%arg16 : memref<!tpu.dma_semaphore, #tpu.memory_space<semaphore_mem>>)
      %mul3A_95 = arith.constant 4 : i32
      %mul3A_96 = arith.muli %mul3A_95, %add3A_59 : i32
      %add3A_97 = arith.constant 1 : i32
      %add3A_98 = arith.addi %mul3A_96, %add3A_97 : i32
      %dma_wait3A_99 = arith.constant 0 : i32
      %dma_wait3A_100 = arith.constant 0 : i32
      %dma_wait3A_101 = tpu.memref_slice %arg6[%dma_wait3A_99, %dma_wait3A_100] : memref<160x128xi32, #tpu.memory_space<vmem>> -> memref<1x128xi32, #tpu.memory_space<vmem>>
      %dma_wait3A_102 = tpu.memref_squeeze %dma_wait3A_101 : memref<1x128xi32, #tpu.memory_space<vmem>> -> memref<128xi32, #tpu.memory_space<vmem>>
      %dma_wait3A_103 = arith.constant 0 : i32
      %dma_wait3A_104 = arith.constant 0 : i32
      %dma_wait3A_105 = tpu.memref_slice %arg2[%arg0, %dma_wait3A_103, %dma_wait3A_104] : memref<2x10000x64xf32, #tpu.memory_space<hbm>> -> memref<1x10000x64xf32, #tpu.memory_space<hbm>>
      %dma_wait3A_106 = tpu.memref_squeeze %dma_wait3A_105 : memref<1x10000x64xf32, #tpu.memory_space<hbm>> -> memref<10000x64xf32, #tpu.memory_space<hbm>>
      %dma_wait3A_107 = arith.constant 0 : i32
      %dma_wait3A_108 = arith.constant 0 : i32
      %dma_wait3A_109 = tpu.memref_slice %dma_wait3A_106[%dma_wait3A_107, %dma_wait3A_108] : memref<10000x64xf32, #tpu.memory_space<hbm>> -> memref<10000x64xf32, #tpu.memory_space<hbm>>
      tpu.wait_indirect_dma semaphore(%arg15 : memref<!tpu.dma_semaphore, #tpu.memory_space<semaphore_mem>>) src(%dma_wait3A_109 : memref<10000x64xf32, #tpu.memory_space<hbm>>) dst(%arg9 : memref<128x64xf32, #tpu.memory_space<vmem>>)
      %dma_start3A_110 = arith.constant 0 : i32
      %dma_start3A_111 = tpu.memref_slice %arg7[%add3A_98, %dma_start3A_110] : memref<160x128xi32, #tpu.memory_space<vmem>> -> memref<1x128xi32, #tpu.memory_space<vmem>>
      %dma_start3A_112 = tpu.memref_squeeze %dma_start3A_111 : memref<1x128xi32, #tpu.memory_space<vmem>> -> memref<128xi32, #tpu.memory_space<vmem>>
      %dma_start3A_113 = arith.constant 0 : i32
      %dma_start3A_114 = arith.constant 0 : i32
      %dma_start3A_115 = tpu.memref_slice %arg13[%dma_start3A_113, %dma_start3A_114] : memref<10112x64xf32, #tpu.memory_space<vmem_shared>> -> memref<10112x64xf32, #tpu.memory_space<vmem_shared>>
      tpu.enqueue_indirect_dma source(%arg9 : memref<128x64xf32, #tpu.memory_space<vmem>>) target(%dma_start3A_115 : memref<10112x64xf32, #tpu.memory_space<vmem_shared>>) offsets(%dma_start3A_112 : memref<128xi32, #tpu.memory_space<vmem>>) semaphore(%arg19 : memref<!tpu.dma_semaphore, #tpu.memory_space<semaphore_mem>>) {add = true}
      %gt3A_116 = arith.constant 0 : i32
      %gt3A_117 = arith.cmpi sgt, %add3A_59, %gt3A_116 : i32
      %convert_element_type3A_118 = arith.extui %gt3A_117 : i1 to i32
      %cond3A_119 = arith.constant 0 : i32
      %cond3A_120 = arith.cmpi ne, %convert_element_type3A_118, %cond3A_119 : i32
      scf.if %cond3A_120 {
        %dma_wait3A_198 = arith.constant 0 : i32
        %dma_wait3A_199 = arith.constant 0 : i32
        %dma_wait3A_200 = tpu.memref_slice %arg7[%dma_wait3A_198, %dma_wait3A_199] : memref<160x128xi32, #tpu.memory_space<vmem>> -> memref<1x128xi32, #tpu.memory_space<vmem>>
        %dma_wait3A_201 = tpu.memref_squeeze %dma_wait3A_200 : memref<1x128xi32, #tpu.memory_space<vmem>> -> memref<128xi32, #tpu.memory_space<vmem>>
        %dma_wait3A_202 = arith.constant 0 : i32
        %dma_wait3A_203 = arith.constant 0 : i32
        %dma_wait3A_204 = tpu.memref_slice %arg13[%dma_wait3A_202, %dma_wait3A_203] : memref<10112x64xf32, #tpu.memory_space<vmem_shared>> -> memref<10112x64xf32, #tpu.memory_space<vmem_shared>>
        tpu.wait_indirect_dma semaphore(%arg21 : memref<!tpu.dma_semaphore, #tpu.memory_space<semaphore_mem>>) src(%arg11 : memref<128x64xf32, #tpu.memory_space<vmem>>) dst(%dma_wait3A_204 : memref<10112x64xf32, #tpu.memory_space<vmem_shared>>)
      } else {
      }
      %add3A_121 = arith.constant 2 : i32
      %add3A_122 = arith.addi %add3A_98, %add3A_121 : i32
      %dma_start3A_123 = arith.constant 0 : i32
      %dma_start3A_124 = tpu.memref_slice %arg6[%add3A_122, %dma_start3A_123] : memref<160x128xi32, #tpu.memory_space<vmem>> -> memref<1x128xi32, #tpu.memory_space<vmem>>
      %dma_start3A_125 = tpu.memref_squeeze %dma_start3A_124 : memref<1x128xi32, #tpu.memory_space<vmem>> -> memref<128xi32, #tpu.memory_space<vmem>>
      %dma_start3A_126 = arith.constant 0 : i32
      %dma_start3A_127 = arith.constant 0 : i32
      %dma_start3A_128 = tpu.memref_slice %arg2[%arg0, %dma_start3A_126, %dma_start3A_127] : memref<2x10000x64xf32, #tpu.memory_space<hbm>> -> memref<1x10000x64xf32, #tpu.memory_space<hbm>>
      %dma_start3A_129 = tpu.memref_squeeze %dma_start3A_128 : memref<1x10000x64xf32, #tpu.memory_space<hbm>> -> memref<10000x64xf32, #tpu.memory_space<hbm>>
      %dma_start3A_130 = arith.constant 0 : i32
      %dma_start3A_131 = arith.constant 0 : i32
      %dma_start3A_132 = tpu.memref_slice %dma_start3A_129[%dma_start3A_130, %dma_start3A_131] : memref<10000x64xf32, #tpu.memory_space<hbm>> -> memref<10000x64xf32, #tpu.memory_space<hbm>>
      tpu.enqueue_indirect_dma source(%dma_start3A_132 : memref<10000x64xf32, #tpu.memory_space<hbm>>) target(%arg11 : memref<128x64xf32, #tpu.memory_space<vmem>>) offsets(%dma_start3A_125 : memref<128xi32, #tpu.memory_space<vmem>>) semaphore(%arg17 : memref<!tpu.dma_semaphore, #tpu.memory_space<semaphore_mem>>)
      %mul3A_133 = arith.constant 4 : i32
      %mul3A_134 = arith.muli %mul3A_133, %add3A_59 : i32
      %add3A_135 = arith.constant 2 : i32
      %add3A_136 = arith.addi %mul3A_134, %add3A_135 : i32
      %dma_wait3A_137 = arith.constant 0 : i32
      %dma_wait3A_138 = arith.constant 0 : i32
      %dma_wait3A_139 = tpu.memref_slice %arg6[%dma_wait3A_137, %dma_wait3A_138] : memref<160x128xi32, #tpu.memory_space<vmem>> -> memref<1x128xi32, #tpu.memory_space<vmem>>
      %dma_wait3A_140 = tpu.memref_squeeze %dma_wait3A_139 : memref<1x128xi32, #tpu.memory_space<vmem>> -> memref<128xi32, #tpu.memory_space<vmem>>
      %dma_wait3A_141 = arith.constant 0 : i32
      %dma_wait3A_142 = arith.constant 0 : i32
      %dma_wait3A_143 = tpu.memref_slice %arg2[%arg0, %dma_wait3A_141, %dma_wait3A_142] : memref<2x10000x64xf32, #tpu.memory_space<hbm>> -> memref<1x10000x64xf32, #tpu.memory_space<hbm>>
      %dma_wait3A_144 = tpu.memref_squeeze %dma_wait3A_143 : memref<1x10000x64xf32, #tpu.memory_space<hbm>> -> memref<10000x64xf32, #tpu.memory_space<hbm>>
      %dma_wait3A_145 = arith.constant 0 : i32
      %dma_wait3A_146 = arith.constant 0 : i32
      %dma_wait3A_147 = tpu.memref_slice %dma_wait3A_144[%dma_wait3A_145, %dma_wait3A_146] : memref<10000x64xf32, #tpu.memory_space<hbm>> -> memref<10000x64xf32, #tpu.memory_space<hbm>>
      tpu.wait_indirect_dma semaphore(%arg16 : memref<!tpu.dma_semaphore, #tpu.memory_space<semaphore_mem>>) src(%dma_wait3A_147 : memref<10000x64xf32, #tpu.memory_space<hbm>>) dst(%arg10 : memref<128x64xf32, #tpu.memory_space<vmem>>)
      %dma_start3A_148 = arith.constant 0 : i32
      %dma_start3A_149 = tpu.memref_slice %arg7[%add3A_136, %dma_start3A_148] : memref<160x128xi32, #tpu.memory_space<vmem>> -> memref<1x128xi32, #tpu.memory_space<vmem>>
      %dma_start3A_150 = tpu.memref_squeeze %dma_start3A_149 : memref<1x128xi32, #tpu.memory_space<vmem>> -> memref<128xi32, #tpu.memory_space<vmem>>
      %dma_start3A_151 = arith.constant 0 : i32
      %dma_start3A_152 = arith.constant 0 : i32
      %dma_start3A_153 = tpu.memref_slice %arg13[%dma_start3A_151, %dma_start3A_152] : memref<10112x64xf32, #tpu.memory_space<vmem_shared>> -> memref<10112x64xf32, #tpu.memory_space<vmem_shared>>
      tpu.enqueue_indirect_dma source(%arg10 : memref<128x64xf32, #tpu.memory_space<vmem>>) target(%dma_start3A_153 : memref<10112x64xf32, #tpu.memory_space<vmem_shared>>) offsets(%dma_start3A_150 : memref<128xi32, #tpu.memory_space<vmem>>) semaphore(%arg20 : memref<!tpu.dma_semaphore, #tpu.memory_space<semaphore_mem>>) {add = true}
      %dma_wait3A_154 = arith.constant 0 : i32
      %dma_wait3A_155 = arith.constant 0 : i32
      %dma_wait3A_156 = tpu.memref_slice %arg7[%dma_wait3A_154, %dma_wait3A_155] : memref<160x128xi32, #tpu.memory_space<vmem>> -> memref<1x128xi32, #tpu.memory_space<vmem>>
      %dma_wait3A_157 = tpu.memref_squeeze %dma_wait3A_156 : memref<1x128xi32, #tpu.memory_space<vmem>> -> memref<128xi32, #tpu.memory_space<vmem>>
      %dma_wait3A_158 = arith.constant 0 : i32
      %dma_wait3A_159 = arith.constant 0 : i32
      %dma_wait3A_160 = tpu.memref_slice %arg13[%dma_wait3A_158, %dma_wait3A_159] : memref<10112x64xf32, #tpu.memory_space<vmem_shared>> -> memref<10112x64xf32, #tpu.memory_space<vmem_shared>>
      tpu.wait_indirect_dma semaphore(%arg18 : memref<!tpu.dma_semaphore, #tpu.memory_space<semaphore_mem>>) src(%arg8 : memref<128x64xf32, #tpu.memory_space<vmem>>) dst(%dma_wait3A_160 : memref<10112x64xf32, #tpu.memory_space<vmem_shared>>)
      %lt3A = arith.constant 39 : i32
      %lt3A_161 = arith.cmpi slt, %add3A_59, %lt3A : i32
      %convert_element_type3A_162 = arith.extui %lt3A_161 : i1 to i32
      %cond3A_163 = arith.constant 0 : i32
      %cond3A_164 = arith.cmpi ne, %convert_element_type3A_162, %cond3A_163 : i32
      scf.if %cond3A_164 {
        %add3A_198 = arith.constant 2 : i32
        %add3A_199 = arith.addi %add3A_136, %add3A_198 : i32
        %dma_start3A_200 = arith.constant 0 : i32
        %dma_start3A_201 = tpu.memref_slice %arg6[%add3A_199, %dma_start3A_200] : memref<160x128xi32, #tpu.memory_space<vmem>> -> memref<1x128xi32, #tpu.memory_space<vmem>>
        %dma_start3A_202 = tpu.memref_squeeze %dma_start3A_201 : memref<1x128xi32, #tpu.memory_space<vmem>> -> memref<128xi32, #tpu.memory_space<vmem>>
        %dma_start3A_203 = arith.constant 0 : i32
        %dma_start3A_204 = arith.constant 0 : i32
        %dma_start3A_205 = tpu.memref_slice %arg2[%arg0, %dma_start3A_203, %dma_start3A_204] : memref<2x10000x64xf32, #tpu.memory_space<hbm>> -> memref<1x10000x64xf32, #tpu.memory_space<hbm>>
        %dma_start3A_206 = tpu.memref_squeeze %dma_start3A_205 : memref<1x10000x64xf32, #tpu.memory_space<hbm>> -> memref<10000x64xf32, #tpu.memory_space<hbm>>
        %dma_start3A_207 = arith.constant 0 : i32
        %dma_start3A_208 = arith.constant 0 : i32
        %dma_start3A_209 = tpu.memref_slice %dma_start3A_206[%dma_start3A_207, %dma_start3A_208] : memref<10000x64xf32, #tpu.memory_space<hbm>> -> memref<10000x64xf32, #tpu.memory_space<hbm>>
        tpu.enqueue_indirect_dma source(%dma_start3A_209 : memref<10000x64xf32, #tpu.memory_space<hbm>>) target(%arg8 : memref<128x64xf32, #tpu.memory_space<vmem>>) offsets(%dma_start3A_202 : memref<128xi32, #tpu.memory_space<vmem>>) semaphore(%arg14 : memref<!tpu.dma_semaphore, #tpu.memory_space<semaphore_mem>>)
      } else {
      }
      %mul3A_165 = arith.constant 4 : i32
      %mul3A_166 = arith.muli %mul3A_165, %add3A_59 : i32
      %add3A_167 = arith.constant 3 : i32
      %add3A_168 = arith.addi %mul3A_166, %add3A_167 : i32
      %dma_wait3A_169 = arith.constant 0 : i32
      %dma_wait3A_170 = arith.constant 0 : i32
      %dma_wait3A_171 = tpu.memref_slice %arg6[%dma_wait3A_169, %dma_wait3A_170] : memref<160x128xi32, #tpu.memory_space<vmem>> -> memref<1x128xi32, #tpu.memory_space<vmem>>
      %dma_wait3A_172 = tpu.memref_squeeze %dma_wait3A_171 : memref<1x128xi32, #tpu.memory_space<vmem>> -> memref<128xi32, #tpu.memory_space<vmem>>
      %dma_wait3A_173 = arith.constant 0 : i32
      %dma_wait3A_174 = arith.constant 0 : i32
      %dma_wait3A_175 = tpu.memref_slice %arg2[%arg0, %dma_wait3A_173, %dma_wait3A_174] : memref<2x10000x64xf32, #tpu.memory_space<hbm>> -> memref<1x10000x64xf32, #tpu.memory_space<hbm>>
      %dma_wait3A_176 = tpu.memref_squeeze %dma_wait3A_175 : memref<1x10000x64xf32, #tpu.memory_space<hbm>> -> memref<10000x64xf32, #tpu.memory_space<hbm>>
      %dma_wait3A_177 = arith.constant 0 : i32
      %dma_wait3A_178 = arith.constant 0 : i32
      %dma_wait3A_179 = tpu.memref_slice %dma_wait3A_176[%dma_wait3A_177, %dma_wait3A_178] : memref<10000x64xf32, #tpu.memory_space<hbm>> -> memref<10000x64xf32, #tpu.memory_space<hbm>>
      tpu.wait_indirect_dma semaphore(%arg17 : memref<!tpu.dma_semaphore, #tpu.memory_space<semaphore_mem>>) src(%dma_wait3A_179 : memref<10000x64xf32, #tpu.memory_space<hbm>>) dst(%arg11 : memref<128x64xf32, #tpu.memory_space<vmem>>)
      %dma_start3A_180 = arith.constant 0 : i32
      %dma_start3A_181 = tpu.memref_slice %arg7[%add3A_168, %dma_start3A_180] : memref<160x128xi32, #tpu.memory_space<vmem>> -> memref<1x128xi32, #tpu.memory_space<vmem>>
      %dma_start3A_182 = tpu.memref_squeeze %dma_start3A_181 : memref<1x128xi32, #tpu.memory_space<vmem>> -> memref<128xi32, #tpu.memory_space<vmem>>
      %dma_start3A_183 = arith.constant 0 : i32
      %dma_start3A_184 = arith.constant 0 : i32
      %dma_start3A_185 = tpu.memref_slice %arg13[%dma_start3A_183, %dma_start3A_184] : memref<10112x64xf32, #tpu.memory_space<vmem_shared>> -> memref<10112x64xf32, #tpu.memory_space<vmem_shared>>
      tpu.enqueue_indirect_dma source(%arg11 : memref<128x64xf32, #tpu.memory_space<vmem>>) target(%dma_start3A_185 : memref<10112x64xf32, #tpu.memory_space<vmem_shared>>) offsets(%dma_start3A_182 : memref<128xi32, #tpu.memory_space<vmem>>) semaphore(%arg21 : memref<!tpu.dma_semaphore, #tpu.memory_space<semaphore_mem>>) {add = true}
      %dma_wait3A_186 = arith.constant 0 : i32
      %dma_wait3A_187 = arith.constant 0 : i32
      %dma_wait3A_188 = tpu.memref_slice %arg7[%dma_wait3A_186, %dma_wait3A_187] : memref<160x128xi32, #tpu.memory_space<vmem>> -> memref<1x128xi32, #tpu.memory_space<vmem>>
      %dma_wait3A_189 = tpu.memref_squeeze %dma_wait3A_188 : memref<1x128xi32, #tpu.memory_space<vmem>> -> memref<128xi32, #tpu.memory_space<vmem>>
      %dma_wait3A_190 = arith.constant 0 : i32
      %dma_wait3A_191 = arith.constant 0 : i32
      %dma_wait3A_192 = tpu.memref_slice %arg13[%dma_wait3A_190, %dma_wait3A_191] : memref<10112x64xf32, #tpu.memory_space<vmem_shared>> -> memref<10112x64xf32, #tpu.memory_space<vmem_shared>>
      tpu.wait_indirect_dma semaphore(%arg19 : memref<!tpu.dma_semaphore, #tpu.memory_space<semaphore_mem>>) src(%arg9 : memref<128x64xf32, #tpu.memory_space<vmem>>) dst(%dma_wait3A_192 : memref<10112x64xf32, #tpu.memory_space<vmem_shared>>)
      %lt3A_193 = arith.constant 39 : i32
      %lt3A_194 = arith.cmpi slt, %add3A_59, %lt3A_193 : i32
      %convert_element_type3A_195 = arith.extui %lt3A_194 : i1 to i32
      %cond3A_196 = arith.constant 0 : i32
      %cond3A_197 = arith.cmpi ne, %convert_element_type3A_195, %cond3A_196 : i32
      scf.if %cond3A_197 {
        %add3A_198 = arith.constant 2 : i32
        %add3A_199 = arith.addi %add3A_168, %add3A_198 : i32
        %dma_start3A_200 = arith.constant 0 : i32
        %dma_start3A_201 = tpu.memref_slice %arg6[%add3A_199, %dma_start3A_200] : memref<160x128xi32, #tpu.memory_space<vmem>> -> memref<1x128xi32, #tpu.memory_space<vmem>>
        %dma_start3A_202 = tpu.memref_squeeze %dma_start3A_201 : memref<1x128xi32, #tpu.memory_space<vmem>> -> memref<128xi32, #tpu.memory_space<vmem>>
        %dma_start3A_203 = arith.constant 0 : i32
        %dma_start3A_204 = arith.constant 0 : i32
        %dma_start3A_205 = tpu.memref_slice %arg2[%arg0, %dma_start3A_203, %dma_start3A_204] : memref<2x10000x64xf32, #tpu.memory_space<hbm>> -> memref<1x10000x64xf32, #tpu.memory_space<hbm>>
        %dma_start3A_206 = tpu.memref_squeeze %dma_start3A_205 : memref<1x10000x64xf32, #tpu.memory_space<hbm>> -> memref<10000x64xf32, #tpu.memory_space<hbm>>
        %dma_start3A_207 = arith.constant 0 : i32
        %dma_start3A_208 = arith.constant 0 : i32
        %dma_start3A_209 = tpu.memref_slice %dma_start3A_206[%dma_start3A_207, %dma_start3A_208] : memref<10000x64xf32, #tpu.memory_space<hbm>> -> memref<10000x64xf32, #tpu.memory_space<hbm>>
        tpu.enqueue_indirect_dma source(%dma_start3A_209 : memref<10000x64xf32, #tpu.memory_space<hbm>>) target(%arg9 : memref<128x64xf32, #tpu.memory_space<vmem>>) offsets(%dma_start3A_202 : memref<128xi32, #tpu.memory_space<vmem>>) semaphore(%arg15 : memref<!tpu.dma_semaphore, #tpu.memory_space<semaphore_mem>>)
      } else {
      }
    }
    %scan3A_36 = arith.constant 40 : i32
    %dma_wait3A = arith.constant 0 : i32
    %dma_wait3A_37 = arith.constant 0 : i32
    %dma_wait3A_38 = tpu.memref_slice %arg7[%dma_wait3A, %dma_wait3A_37] : memref<160x128xi32, #tpu.memory_space<vmem>> -> memref<1x128xi32, #tpu.memory_space<vmem>>
    %dma_wait3A_39 = tpu.memref_squeeze %dma_wait3A_38 : memref<1x128xi32, #tpu.memory_space<vmem>> -> memref<128xi32, #tpu.memory_space<vmem>>
    %dma_wait3A_40 = arith.constant 0 : i32
    %dma_wait3A_41 = arith.constant 0 : i32
    %dma_wait3A_42 = tpu.memref_slice %arg13[%dma_wait3A_40, %dma_wait3A_41] : memref<10112x64xf32, #tpu.memory_space<vmem_shared>> -> memref<10112x64xf32, #tpu.memory_space<vmem_shared>>
    tpu.wait_indirect_dma semaphore(%arg20 : memref<!tpu.dma_semaphore, #tpu.memory_space<semaphore_mem>>) src(%arg10 : memref<128x64xf32, #tpu.memory_space<vmem>>) dst(%dma_wait3A_42 : memref<10112x64xf32, #tpu.memory_space<vmem_shared>>)
    %dma_wait3A_43 = arith.constant 0 : i32
    %dma_wait3A_44 = arith.constant 0 : i32
    %dma_wait3A_45 = tpu.memref_slice %arg7[%dma_wait3A_43, %dma_wait3A_44] : memref<160x128xi32, #tpu.memory_space<vmem>> -> memref<1x128xi32, #tpu.memory_space<vmem>>
    %dma_wait3A_46 = tpu.memref_squeeze %dma_wait3A_45 : memref<1x128xi32, #tpu.memory_space<vmem>> -> memref<128xi32, #tpu.memory_space<vmem>>
    %dma_wait3A_47 = arith.constant 0 : i32
    %dma_wait3A_48 = arith.constant 0 : i32
    %dma_wait3A_49 = tpu.memref_slice %arg13[%dma_wait3A_47, %dma_wait3A_48] : memref<10112x64xf32, #tpu.memory_space<vmem_shared>> -> memref<10112x64xf32, #tpu.memory_space<vmem_shared>>
    tpu.wait_indirect_dma semaphore(%arg21 : memref<!tpu.dma_semaphore, #tpu.memory_space<semaphore_mem>>) src(%arg11 : memref<128x64xf32, #tpu.memory_space<vmem>>) dst(%dma_wait3A_49 : memref<10112x64xf32, #tpu.memory_space<vmem_shared>>)
    %barrier3A_50 = arith.constant 0 : index
    tpu.barrier barrier_id(%barrier3A_50)
    %mul3A_51 = arith.constant 632 : i32
    %mul3A_52 = arith.muli %arg1, %mul3A_51 : i32
    %mul3A_53 = arith.constant 632 : i32
    %mul3A_54 = arith.muli %arg1, %mul3A_53 : i32
    "tpu.region"() ({
      %run_scoped3A = tpu.sem_alloc : memref<!tpu.dma_semaphore, #tpu.memory_space<semaphore_mem>>
      %dma_start3A_55 = arith.constant 0 : i32
      %dma_start3A_56 = arith.constant 0 : i32
      %dma_start3A_57 = tpu.memref_slice %arg5[%arg0, %dma_start3A_55, %dma_start3A_56] : memref<2x10112x64xf32, #tpu.memory_space<hbm>> -> memref<1x10112x64xf32, #tpu.memory_space<hbm>>
      %dma_start3A_58 = tpu.memref_squeeze %dma_start3A_57 : memref<1x10112x64xf32, #tpu.memory_space<hbm>> -> memref<10112x64xf32, #tpu.memory_space<hbm>>
      %dma_start3A_59 = arith.constant 0 : i32
      %dma_start3A_60 = tpu.memref_slice %dma_start3A_58[%mul3A_54, %dma_start3A_59] : memref<10112x64xf32, #tpu.memory_space<hbm>> -> memref<632x64xf32, #tpu.memory_space<hbm>>
      %dma_start3A_61 = arith.constant 0 : i32
      %dma_start3A_62 = tpu.memref_slice %arg13[%mul3A_52, %dma_start3A_61] : memref<10112x64xf32, #tpu.memory_space<vmem_shared>> -> memref<632x64xf32, #tpu.memory_space<vmem_shared>>
      tpu.enqueue_dma source(%dma_start3A_62 : memref<632x64xf32, #tpu.memory_space<vmem_shared>>) target(%dma_start3A_60 : memref<632x64xf32, #tpu.memory_space<hbm>>) target_semaphore(%run_scoped3A : memref<!tpu.dma_semaphore, #tpu.memory_space<semaphore_mem>>)
      %dma_wait3A_63 = arith.constant 0 : i32
      %dma_wait3A_64 = arith.constant 0 : i32
      %dma_wait3A_65 = tpu.memref_slice %arg5[%arg0, %dma_wait3A_63, %dma_wait3A_64] : memref<2x10112x64xf32, #tpu.memory_space<hbm>> -> memref<1x10112x64xf32, #tpu.memory_space<hbm>>
      %dma_wait3A_66 = tpu.memref_squeeze %dma_wait3A_65 : memref<1x10112x64xf32, #tpu.memory_space<hbm>> -> memref<10112x64xf32, #tpu.memory_space<hbm>>
      %dma_wait3A_67 = arith.constant 0 : i32
      %dma_wait3A_68 = tpu.memref_slice %dma_wait3A_66[%mul3A_54, %dma_wait3A_67] : memref<10112x64xf32, #tpu.memory_space<hbm>> -> memref<632x64xf32, #tpu.memory_space<hbm>>
      %dma_wait3A_69 = arith.constant 0 : i32
      %dma_wait3A_70 = tpu.memref_slice %arg13[%mul3A_52, %dma_wait3A_69] : memref<10112x64xf32, #tpu.memory_space<vmem_shared>> -> memref<632x64xf32, #tpu.memory_space<vmem_shared>>
      tpu.wait_dma2 semaphore(%run_scoped3A : memref<!tpu.dma_semaphore, #tpu.memory_space<semaphore_mem>>) src(%dma_wait3A_70 : memref<632x64xf32, #tpu.memory_space<vmem_shared>>) dst(%dma_wait3A_68 : memref<632x64xf32, #tpu.memory_space<hbm>>)
      tpu.yield
    }) : () -> ()
    return
  }
}

module attributes {stable_mosaic.version = 14 : i64} {
  func.func @body(%arg0: i32, %arg1: memref<1000x128xf32, #tpu.memory_space<vmem>>, %arg2: memref<2x1000x16xf32, #tpu.memory_space<vmem>>, %arg3: memref<128x128xf32, #tpu.memory_space<vmem>>, %arg4: memref<2x1000x64xf32, #tpu.memory_space<vmem>>) attributes {dimension_semantics = [#tpu.dimension_semantics<arbitrary>], iteration_bounds = array<i64: 10>, scalar_prefetch = 0 : i64, scratch_operands = 0 : i64, tpu.core_type = #tpu.core_type<tc>, window_params = [{transform_indices = @transform_0, window_bounds = array<i64: 1000, 128>}, {transform_indices = @transform_1, window_bounds = array<i64: 2, 1000, 16>}, {pipeline_mode = #tpu.pipeline_mode<synchronous>, transform_indices = @transform_2, window_bounds = array<i64: 128, 128>}, {transform_indices = @transform_3, window_bounds = array<i64: 2, 1000, 64>}]} {
    %get3A = arith.constant 0 : index
    %get3A_0 = arith.constant 0 : index
    %get3A_1 = arith.constant 0 : index
    %get3A_2 = vector.load %arg2[%get3A, %get3A_0, %get3A_1] : memref<2x1000x16xf32, #tpu.memory_space<vmem>>, vector<2x1000x16xf32>
    %slice3A = vector.extract_strided_slice %get3A_2 {offsets = [0, 0, 0], sizes = [1, 1000, 1], strides = [1, 1, 1]} : vector<2x1000x16xf32> to vector<1x1000x1xf32>
    %squeeze3A = vector.shape_cast %slice3A : vector<1x1000x1xf32> to vector<1000x1xf32>
    %slice3A_3 = vector.extract_strided_slice %get3A_2 {offsets = [1, 0, 0], sizes = [1, 1000, 1], strides = [1, 1, 1]} : vector<2x1000x16xf32> to vector<1x1000x1xf32>
    %squeeze3A_4 = vector.shape_cast %slice3A_3 : vector<1x1000x1xf32> to vector<1000x1xf32>
    %add3A = arith.addf %squeeze3A, %squeeze3A_4 : vector<1000x1xf32>
    %add3A_5 = arith.constant 1.000000e+00 : f32
    %add3A_6 = vector.broadcast %add3A_5 : f32 to vector<1000x1xf32>
    %add3A_7 = arith.addf %add3A, %add3A_6 : vector<1000x1xf32>
    %rsqrt3A = math.rsqrt %add3A_7 : vector<1000x1xf32>
    %get3A_8 = arith.constant 0 : index
    %get3A_9 = arith.constant 0 : index
    %get3A_10 = vector.load %arg1[%get3A_8, %get3A_9] : memref<1000x128xf32, #tpu.memory_space<vmem>>, vector<1000x128xf32>
    %get3A_11 = arith.constant 0 : index
    %get3A_12 = arith.constant 0 : index
    %get3A_13 = vector.load %arg3[%get3A_11, %get3A_12] : memref<128x128xf32, #tpu.memory_space<vmem>>, vector<128x128xf32>
    %dot_general3A = arith.constant dense<0.000000e+00> : vector<1000x128xf32>
    %dot_general3A_14 = tpu.matmul %get3A_10, %get3A_13, %dot_general3A {dimension_numbers = #tpu.dot_dimension_numbers<[1], [0], [0], [1], [0, 0, 1, 1], [], []>, precision = #tpu.contract_precision<fp32>, transpose_lhs_hint = false} : vector<1000x128xf32>, vector<128x128xf32>, vector<1000x128xf32> -> vector<1000x128xf32>
    %mul3A = vector.broadcast %rsqrt3A : vector<1000x1xf32> to vector<1000x128xf32>
    %mul3A_15 = arith.mulf %dot_general3A_14, %mul3A : vector<1000x128xf32>
    %slice3A_16 = vector.extract_strided_slice %mul3A_15 {offsets = [0, 0], sizes = [1000, 64], strides = [1, 1]} : vector<1000x128xf32> to vector<1000x64xf32>
    %slice3A_17 = vector.extract_strided_slice %mul3A_15 {offsets = [0, 64], sizes = [1000, 64], strides = [1, 1]} : vector<1000x128xf32> to vector<1000x64xf32>
    %stack3A = vector.shape_cast %slice3A_16 : vector<1000x64xf32> to vector<1x1000x64xf32>
    %stack3A_18 = vector.shape_cast %slice3A_17 : vector<1000x64xf32> to vector<1x1000x64xf32>
    %stack3A_19 = tpu.concatenate %stack3A, %stack3A_18 in 0 : vector<1x1000x64xf32>, vector<1x1000x64xf32> -> vector<2x1000x64xf32>
    %swap3A = arith.constant 0 : index
    %swap3A_20 = arith.constant 0 : index
    %swap3A_21 = arith.constant 0 : index
    %swap3A_22 = vector.load %arg4[%swap3A, %swap3A_20, %swap3A_21] : memref<2x1000x64xf32, #tpu.memory_space<vmem>>, vector<2x1000x64xf32>
    tpu.vector_store %arg4[%swap3A, %swap3A_20, %swap3A_21], %stack3A_19 {strides = array<i32>} : memref<2x1000x64xf32, #tpu.memory_space<vmem>>, vector<2x1000x64xf32>,
    return
  }
  func.func @transform_0(%arg0: i32) -> (i32, i32) {
    %c0_i32 = arith.constant 0 : i32
    %c0_i32_0 = arith.constant 0 : i32
    return %arg0, %c0_i32 : i32, i32
  }
  func.func @transform_1(%arg0: i32) -> (i32, i32, i32) {
    %c0_i32 = arith.constant 0 : i32
    %c0_i32_0 = arith.constant 0 : i32
    %c0_i32_1 = arith.constant 0 : i32
    return %c0_i32, %arg0, %c0_i32_0 : i32, i32, i32
  }
  func.func @transform_2(%arg0: i32) -> (i32, i32) {
    %c0_i32 = arith.constant 0 : i32
    %c0_i32_0 = arith.constant 0 : i32
    %c0_i32_1 = arith.constant 0 : i32
    return %c0_i32, %c0_i32_0 : i32, i32
  }
  func.func @transform_3(%arg0: i32) -> (i32, i32, i32) {
    %c0_i32 = arith.constant 0 : i32
    %c0_i32_0 = arith.constant 0 : i32
    %c0_i32_1 = arith.constant 0 : i32
    return %c0_i32, %arg0, %c0_i32_0 : i32, i32, i32
  }
}

module attributes {stable_mosaic.version = 14 : i64} {
  func.func @body(%arg0: i32, %arg1: memref<2x1000x64xf32, #tpu.memory_space<vmem>>, %arg2: memref<2x1000x64xf32, #tpu.memory_space<vmem>>, %arg3: memref<2x1000x16xf32, #tpu.memory_space<vmem>>, %arg4: memref<1x128xf32, #tpu.memory_space<vmem>>, %arg5: memref<128x128xf32, #tpu.memory_space<vmem>>, %arg6: memref<2x1000x64xf32, #tpu.memory_space<vmem>>) attributes {dimension_semantics = [#tpu.dimension_semantics<arbitrary>], iteration_bounds = array<i64: 10>, scalar_prefetch = 0 : i64, scratch_operands = 0 : i64, tpu.core_type = #tpu.core_type<tc>, window_params = [{transform_indices = @transform_0, window_bounds = array<i64: 2, 1000, 64>}, {transform_indices = @transform_1, window_bounds = array<i64: 2, 1000, 64>}, {transform_indices = @transform_2, window_bounds = array<i64: 2, 1000, 16>}, {pipeline_mode = #tpu.pipeline_mode<synchronous>, transform_indices = @transform_3, window_bounds = array<i64: 1, 128>}, {pipeline_mode = #tpu.pipeline_mode<synchronous>, transform_indices = @transform_4, window_bounds = array<i64: 128, 128>}, {transform_indices = @transform_5, window_bounds = array<i64: 2, 1000, 64>}]} {
    %get3A = arith.constant 0 : index
    %get3A_0 = arith.constant 0 : index
    %get3A_1 = arith.constant 0 : index
    %get3A_2 = vector.load %arg3[%get3A, %get3A_0, %get3A_1] : memref<2x1000x16xf32, #tpu.memory_space<vmem>>, vector<2x1000x16xf32>
    %slice3A = vector.extract_strided_slice %get3A_2 {offsets = [0, 0, 0], sizes = [1, 1000, 1], strides = [1, 1, 1]} : vector<2x1000x16xf32> to vector<1x1000x1xf32>
    %squeeze3A = vector.shape_cast %slice3A : vector<1x1000x1xf32> to vector<1000x1xf32>
    %slice3A_3 = vector.extract_strided_slice %get3A_2 {offsets = [1, 0, 0], sizes = [1, 1000, 1], strides = [1, 1, 1]} : vector<2x1000x16xf32> to vector<1x1000x1xf32>
    %squeeze3A_4 = vector.shape_cast %slice3A_3 : vector<1x1000x1xf32> to vector<1000x1xf32>
    %add3A = arith.addf %squeeze3A, %squeeze3A_4 : vector<1000x1xf32>
    %add3A_5 = arith.constant 1.000000e+00 : f32
    %add3A_6 = vector.broadcast %add3A_5 : f32 to vector<1000x1xf32>
    %add3A_7 = arith.addf %add3A, %add3A_6 : vector<1000x1xf32>
    %rsqrt3A = math.rsqrt %add3A_7 : vector<1000x1xf32>
    %get3A_8 = arith.constant 0 : index
    %get3A_9 = arith.constant 0 : index
    %get3A_10 = arith.constant 0 : index
    %get3A_11 = vector.load %arg1[%get3A_8, %get3A_9, %get3A_10] : memref<2x1000x64xf32, #tpu.memory_space<vmem>>, vector<2x1000x64xf32>
    %get3A_12 = arith.constant 0 : index
    %get3A_13 = arith.constant 0 : index
    %get3A_14 = arith.constant 0 : index
    %get3A_15 = vector.load %arg2[%get3A_12, %get3A_13, %get3A_14] : memref<2x1000x64xf32, #tpu.memory_space<vmem>>, vector<2x1000x64xf32>
    %slice3A_16 = vector.extract_strided_slice %get3A_11 {offsets = [0, 0, 0], sizes = [1, 1000, 64], strides = [1, 1, 1]} : vector<2x1000x64xf32> to vector<1x1000x64xf32>
    %squeeze3A_17 = vector.shape_cast %slice3A_16 : vector<1x1000x64xf32> to vector<1000x64xf32>
    %slice3A_18 = vector.extract_strided_slice %get3A_15 {offsets = [0, 0, 0], sizes = [1, 1000, 64], strides = [1, 1, 1]} : vector<2x1000x64xf32> to vector<1x1000x64xf32>
    %squeeze3A_19 = vector.shape_cast %slice3A_18 : vector<1x1000x64xf32> to vector<1000x64xf32>
    %add3A_20 = arith.addf %squeeze3A_17, %squeeze3A_19 : vector<1000x64xf32>
    %slice3A_21 = vector.extract_strided_slice %get3A_11 {offsets = [1, 0, 0], sizes = [1, 1000, 64], strides = [1, 1, 1]} : vector<2x1000x64xf32> to vector<1x1000x64xf32>
    %squeeze3A_22 = vector.shape_cast %slice3A_21 : vector<1x1000x64xf32> to vector<1000x64xf32>
    %slice3A_23 = vector.extract_strided_slice %get3A_15 {offsets = [1, 0, 0], sizes = [1, 1000, 64], strides = [1, 1, 1]} : vector<2x1000x64xf32> to vector<1x1000x64xf32>
    %squeeze3A_24 = vector.shape_cast %slice3A_23 : vector<1x1000x64xf32> to vector<1000x64xf32>
    %add3A_25 = arith.addf %squeeze3A_22, %squeeze3A_24 : vector<1000x64xf32>
    %concatenate3A = tpu.concatenate %add3A_20, %add3A_25 in 1 : vector<1000x64xf32>, vector<1000x64xf32> -> vector<1000x128xf32>
    %mul3A = vector.broadcast %rsqrt3A : vector<1000x1xf32> to vector<1000x128xf32>
    %mul3A_26 = arith.mulf %mul3A, %concatenate3A : vector<1000x128xf32>
    %get3A_27 = arith.constant 0 : index
    %get3A_28 = arith.constant 0 : index
    %get3A_29 = vector.load %arg4[%get3A_27, %get3A_28] : memref<1x128xf32, #tpu.memory_space<vmem>>, vector<1x128xf32>
    %add3A_30 = vector.broadcast %get3A_29 : vector<1x128xf32> to vector<1000x128xf32>
    %add3A_31 = arith.addf %mul3A_26, %add3A_30 : vector<1000x128xf32>
    %max3A = arith.constant 0.000000e+00 : f32
    %max3A_32 = vector.broadcast %max3A : f32 to vector<1000x128xf32>
    %max3A_33 = arith.maximumf %add3A_31, %max3A_32 : vector<1000x128xf32>
    %get3A_34 = arith.constant 0 : index
    %get3A_35 = arith.constant 0 : index
    %get3A_36 = vector.load %arg5[%get3A_34, %get3A_35] : memref<128x128xf32, #tpu.memory_space<vmem>>, vector<128x128xf32>
    %dot_general3A = arith.constant dense<0.000000e+00> : vector<1000x128xf32>
    %dot_general3A_37 = tpu.matmul %max3A_33, %get3A_36, %dot_general3A {dimension_numbers = #tpu.dot_dimension_numbers<[1], [0], [0], [1], [0, 0, 1, 1], [], []>, precision = #tpu.contract_precision<fp32>, transpose_lhs_hint = false} : vector<1000x128xf32>, vector<128x128xf32>, vector<1000x128xf32> -> vector<1000x128xf32>
    %mul3A_38 = vector.broadcast %rsqrt3A : vector<1000x1xf32> to vector<1000x128xf32>
    %mul3A_39 = arith.mulf %dot_general3A_37, %mul3A_38 : vector<1000x128xf32>
    %slice3A_40 = vector.extract_strided_slice %mul3A_39 {offsets = [0, 0], sizes = [1000, 64], strides = [1, 1]} : vector<1000x128xf32> to vector<1000x64xf32>
    %slice3A_41 = vector.extract_strided_slice %mul3A_39 {offsets = [0, 64], sizes = [1000, 64], strides = [1, 1]} : vector<1000x128xf32> to vector<1000x64xf32>
    %stack3A = vector.shape_cast %slice3A_40 : vector<1000x64xf32> to vector<1x1000x64xf32>
    %stack3A_42 = vector.shape_cast %slice3A_41 : vector<1000x64xf32> to vector<1x1000x64xf32>
    %stack3A_43 = tpu.concatenate %stack3A, %stack3A_42 in 0 : vector<1x1000x64xf32>, vector<1x1000x64xf32> -> vector<2x1000x64xf32>
    %swap3A = arith.constant 0 : index
    %swap3A_44 = arith.constant 0 : index
    %swap3A_45 = arith.constant 0 : index
    %swap3A_46 = vector.load %arg6[%swap3A, %swap3A_44, %swap3A_45] : memref<2x1000x64xf32, #tpu.memory_space<vmem>>, vector<2x1000x64xf32>
    tpu.vector_store %arg6[%swap3A, %swap3A_44, %swap3A_45], %stack3A_43 {strides = array<i32>} : memref<2x1000x64xf32, #tpu.memory_space<vmem>>, vector<2x1000x64xf32>,
    return
  }
  func.func @transform_0(%arg0: i32) -> (i32, i32, i32) {
    %c0_i32 = arith.constant 0 : i32
    %c0_i32_0 = arith.constant 0 : i32
    %c0_i32_1 = arith.constant 0 : i32
    return %c0_i32, %arg0, %c0_i32_0 : i32, i32, i32
  }
  func.func @transform_1(%arg0: i32) -> (i32, i32, i32) {
    %c0_i32 = arith.constant 0 : i32
    %c0_i32_0 = arith.constant 0 : i32
    %c0_i32_1 = arith.constant 0 : i32
    return %c0_i32, %arg0, %c0_i32_0 : i32, i32, i32
  }
  func.func @transform_2(%arg0: i32) -> (i32, i32, i32) {
    %c0_i32 = arith.constant 0 : i32
    %c0_i32_0 = arith.constant 0 : i32
    %c0_i32_1 = arith.constant 0 : i32
    return %c0_i32, %arg0, %c0_i32_0 : i32, i32, i32
  }
  func.func @transform_3(%arg0: i32) -> (i32, i32) {
    %c0_i32 = arith.constant 0 : i32
    %c0_i32_0 = arith.constant 0 : i32
    %c0_i32_1 = arith.constant 0 : i32
    return %c0_i32, %c0_i32_0 : i32, i32
  }
  func.func @transform_4(%arg0: i32) -> (i32, i32) {
    %c0_i32 = arith.constant 0 : i32
    %c0_i32_0 = arith.constant 0 : i32
    %c0_i32_1 = arith.constant 0 : i32
    return %c0_i32, %c0_i32_0 : i32, i32
  }
  func.func @transform_5(%arg0: i32) -> (i32, i32, i32) {
    %c0_i32 = arith.constant 0 : i32
    %c0_i32_0 = arith.constant 0 : i32
    %c0_i32_1 = arith.constant 0 : i32
    return %c0_i32, %arg0, %c0_i32_0 : i32, i32, i32
  }
}

module attributes {stable_mosaic.version = 14 : i64} {
  func.func @body(%arg0: i32, %arg1: memref<2x1000x64xf32, #tpu.memory_space<vmem>>, %arg2: memref<2x1000x64xf32, #tpu.memory_space<vmem>>, %arg3: memref<2x1000x16xf32, #tpu.memory_space<vmem>>, %arg4: memref<1x128xf32, #tpu.memory_space<vmem>>, %arg5: memref<1x1x1000xi32, #tpu.memory_space<vmem>>, %arg6: memref<128x128xf32, #tpu.memory_space<vmem>>, %arg7: memref<1x128xf32, #tpu.memory_space<vmem>>, %arg8: memref<64x128xf32, #tpu.memory_space<vmem>>, %arg9: memref<64x128xf32, #tpu.memory_space<vmem>>) attributes {dimension_semantics = [#tpu.dimension_semantics<arbitrary>], iteration_bounds = array<i64: 10>, scalar_prefetch = 0 : i64, scratch_operands = 1 : i64, tpu.core_type = #tpu.core_type<tc>, window_params = [{transform_indices = @transform_0, window_bounds = array<i64: 2, 1000, 64>}, {transform_indices = @transform_1, window_bounds = array<i64: 2, 1000, 64>}, {transform_indices = @transform_2, window_bounds = array<i64: 2, 1000, 16>}, {pipeline_mode = #tpu.pipeline_mode<synchronous>, transform_indices = @transform_3, window_bounds = array<i64: 1, 128>}, {transform_indices = @transform_4, window_bounds = array<i64: 1, 1, 1000>}, {pipeline_mode = #tpu.pipeline_mode<synchronous>, transform_indices = @transform_5, window_bounds = array<i64: 128, 128>}, {pipeline_mode = #tpu.pipeline_mode<synchronous>, transform_indices = @transform_6, window_bounds = array<i64: 1, 128>}, {pipeline_mode = #tpu.pipeline_mode<synchronous>, transform_indices = @transform_7, window_bounds = array<i64: 64, 128>}]} {
    %get3A = arith.constant 0 : index
    %get3A_0 = arith.constant 0 : index
    %get3A_1 = arith.constant 0 : index
    %get3A_2 = vector.load %arg3[%get3A, %get3A_0, %get3A_1] : memref<2x1000x16xf32, #tpu.memory_space<vmem>>, vector<2x1000x16xf32>
    %slice3A = vector.extract_strided_slice %get3A_2 {offsets = [0, 0, 0], sizes = [1, 1000, 1], strides = [1, 1, 1]} : vector<2x1000x16xf32> to vector<1x1000x1xf32>
    %squeeze3A = vector.shape_cast %slice3A : vector<1x1000x1xf32> to vector<1000x1xf32>
    %slice3A_3 = vector.extract_strided_slice %get3A_2 {offsets = [1, 0, 0], sizes = [1, 1000, 1], strides = [1, 1, 1]} : vector<2x1000x16xf32> to vector<1x1000x1xf32>
    %squeeze3A_4 = vector.shape_cast %slice3A_3 : vector<1x1000x1xf32> to vector<1000x1xf32>
    %add3A = arith.addf %squeeze3A, %squeeze3A_4 : vector<1000x1xf32>
    %add3A_5 = arith.constant 1.000000e+00 : f32
    %add3A_6 = vector.broadcast %add3A_5 : f32 to vector<1000x1xf32>
    %add3A_7 = arith.addf %add3A, %add3A_6 : vector<1000x1xf32>
    %rsqrt3A = math.rsqrt %add3A_7 : vector<1000x1xf32>
    %get3A_8 = arith.constant 0 : index
    %get3A_9 = arith.constant 0 : index
    %get3A_10 = arith.constant 0 : index
    %get3A_11 = vector.load %arg1[%get3A_8, %get3A_9, %get3A_10] : memref<2x1000x64xf32, #tpu.memory_space<vmem>>, vector<2x1000x64xf32>
    %get3A_12 = arith.constant 0 : index
    %get3A_13 = arith.constant 0 : index
    %get3A_14 = arith.constant 0 : index
    %get3A_15 = vector.load %arg2[%get3A_12, %get3A_13, %get3A_14] : memref<2x1000x64xf32, #tpu.memory_space<vmem>>, vector<2x1000x64xf32>
    %slice3A_16 = vector.extract_strided_slice %get3A_11 {offsets = [0, 0, 0], sizes = [1, 1000, 64], strides = [1, 1, 1]} : vector<2x1000x64xf32> to vector<1x1000x64xf32>
    %squeeze3A_17 = vector.shape_cast %slice3A_16 : vector<1x1000x64xf32> to vector<1000x64xf32>
    %slice3A_18 = vector.extract_strided_slice %get3A_15 {offsets = [0, 0, 0], sizes = [1, 1000, 64], strides = [1, 1, 1]} : vector<2x1000x64xf32> to vector<1x1000x64xf32>
    %squeeze3A_19 = vector.shape_cast %slice3A_18 : vector<1x1000x64xf32> to vector<1000x64xf32>
    %add3A_20 = arith.addf %squeeze3A_17, %squeeze3A_19 : vector<1000x64xf32>
    %slice3A_21 = vector.extract_strided_slice %get3A_11 {offsets = [1, 0, 0], sizes = [1, 1000, 64], strides = [1, 1, 1]} : vector<2x1000x64xf32> to vector<1x1000x64xf32>
    %squeeze3A_22 = vector.shape_cast %slice3A_21 : vector<1x1000x64xf32> to vector<1000x64xf32>
    %slice3A_23 = vector.extract_strided_slice %get3A_15 {offsets = [1, 0, 0], sizes = [1, 1000, 64], strides = [1, 1, 1]} : vector<2x1000x64xf32> to vector<1x1000x64xf32>
    %squeeze3A_24 = vector.shape_cast %slice3A_23 : vector<1x1000x64xf32> to vector<1000x64xf32>
    %add3A_25 = arith.addf %squeeze3A_22, %squeeze3A_24 : vector<1000x64xf32>
    %concatenate3A = tpu.concatenate %add3A_20, %add3A_25 in 1 : vector<1000x64xf32>, vector<1000x64xf32> -> vector<1000x128xf32>
    %mul3A = vector.broadcast %rsqrt3A : vector<1000x1xf32> to vector<1000x128xf32>
    %mul3A_26 = arith.mulf %mul3A, %concatenate3A : vector<1000x128xf32>
    %get3A_27 = arith.constant 0 : index
    %get3A_28 = arith.constant 0 : index
    %get3A_29 = vector.load %arg4[%get3A_27, %get3A_28] : memref<1x128xf32, #tpu.memory_space<vmem>>, vector<1x128xf32>
    %add3A_30 = vector.broadcast %get3A_29 : vector<1x128xf32> to vector<1000x128xf32>
    %add3A_31 = arith.addf %mul3A_26, %add3A_30 : vector<1000x128xf32>
    %max3A = arith.constant 0.000000e+00 : f32
    %max3A_32 = vector.broadcast %max3A : f32 to vector<1000x128xf32>
    %max3A_33 = arith.maximumf %add3A_31, %max3A_32 : vector<1000x128xf32>
    %get3A_34 = arith.constant 0 : index
    %get3A_35 = arith.constant 0 : index
    %get3A_36 = arith.constant 0 : index
    %get3A_37 = vector.load %arg5[%get3A_34, %get3A_35, %get3A_36] : memref<1x1x1000xi32, #tpu.memory_space<vmem>>, vector<1x1x1000xi32>
    %get3A_38 = vector.shape_cast %get3A_37 : vector<1x1x1000xi32> to vector<1000xi32>
    %reshape3A = vector.shape_cast %get3A_38 : vector<1000xi32> to vector<1x1000xi32>
    %iota3A = tpu.iota {dimensions = array<i32: 0>} : vector<64x1000xi32>
    %eq3A = vector.broadcast %reshape3A : vector<1x1000xi32> to vector<64x1000xi32>
    %eq3A_39 = arith.cmpi eq, %eq3A, %iota3A : vector<64x1000xi32>
    %convert_element_type3A = arith.extui %eq3A_39 : vector<64x1000xi1> to vector<64x1000xi32>
    %convert_element_type3A_40 = arith.sitofp %convert_element_type3A : vector<64x1000xi32> to vector<64x1000xf32>
    %dot_general3A = arith.constant dense<0.000000e+00> : vector<64x128xf32>
    %dot_general3A_41 = tpu.matmul %convert_element_type3A_40, %max3A_33, %dot_general3A {dimension_numbers = #tpu.dot_dimension_numbers<[1], [0], [0], [1], [0, 0, 1, 1], [], []>, precision = #tpu.contract_precision<fp32>, transpose_lhs_hint = false} : vector<64x1000xf32>, vector<1000x128xf32>, vector<64x128xf32> -> vector<64x128xf32>
    %eq3A_42 = arith.constant 0 : i32
    %eq3A_43 = arith.cmpi eq, %arg0, %eq3A_42 : i32
    %convert_element_type3A_44 = arith.extui %eq3A_43 : i1 to i32
    %cond3A = arith.constant 0 : i32
    %cond3A_45 = arith.cmpi ne, %convert_element_type3A_44, %cond3A : i32
    scf.if %cond3A_45 {
      %swap3A = arith.constant 0 : index
      %swap3A_55 = arith.constant 0 : index
      %swap3A_56 = vector.load %arg9[%swap3A, %swap3A_55] : memref<64x128xf32, #tpu.memory_space<vmem>>, vector<64x128xf32>
      tpu.vector_store %arg9[%swap3A, %swap3A_55], %dot_general3A_41 {strides = array<i32>} : memref<64x128xf32, #tpu.memory_space<vmem>>, vector<64x128xf32>,
    } else {
    }
    %gt3A = arith.constant 0 : i32
    %gt3A_46 = arith.cmpi sgt, %arg0, %gt3A : i32
    %convert_element_type3A_47 = arith.extui %gt3A_46 : i1 to i32
    %cond3A_48 = arith.constant 0 : i32
    %cond3A_49 = arith.cmpi ne, %convert_element_type3A_47, %cond3A_48 : i32
    scf.if %cond3A_49 {
      %get3A_55 = arith.constant 0 : index
      %get3A_56 = arith.constant 0 : index
      %get3A_57 = vector.load %arg9[%get3A_55, %get3A_56] : memref<64x128xf32, #tpu.memory_space<vmem>>, vector<64x128xf32>
      %add3A_58 = arith.addf %get3A_57, %dot_general3A_41 : vector<64x128xf32>
      %swap3A = arith.constant 0 : index
      %swap3A_59 = arith.constant 0 : index
      %swap3A_60 = vector.load %arg9[%swap3A, %swap3A_59] : memref<64x128xf32, #tpu.memory_space<vmem>>, vector<64x128xf32>
      tpu.vector_store %arg9[%swap3A, %swap3A_59], %add3A_58 {strides = array<i32>} : memref<64x128xf32, #tpu.memory_space<vmem>>, vector<64x128xf32>,
    } else {
    }
    %eq3A_50 = arith.constant 9 : i32
    %eq3A_51 = arith.cmpi eq, %arg0, %eq3A_50 : i32
    %convert_element_type3A_52 = arith.extui %eq3A_51 : i1 to i32
    %cond3A_53 = arith.constant 0 : i32
    %cond3A_54 = arith.cmpi ne, %convert_element_type3A_52, %cond3A_53 : i32
    scf.if %cond3A_54 {
      %get3A_55 = arith.constant 0 : index
      %get3A_56 = arith.constant 0 : index
      %get3A_57 = vector.load %arg9[%get3A_55, %get3A_56] : memref<64x128xf32, #tpu.memory_space<vmem>>, vector<64x128xf32>
      %get3A_58 = arith.constant 0 : index
      %get3A_59 = arith.constant 0 : index
      %get3A_60 = vector.load %arg6[%get3A_58, %get3A_59] : memref<128x128xf32, #tpu.memory_space<vmem>>, vector<128x128xf32>
      %dot_general3A_61 = arith.constant dense<0.000000e+00> : vector<64x128xf32>
      %dot_general3A_62 = tpu.matmul %get3A_57, %get3A_60, %dot_general3A_61 {dimension_numbers = #tpu.dot_dimension_numbers<[1], [0], [0], [1], [0, 0, 1, 1], [], []>, precision = #tpu.contract_precision<fp32>, transpose_lhs_hint = false} : vector<64x128xf32>, vector<128x128xf32>, vector<64x128xf32> -> vector<64x128xf32>
      %get3A_63 = arith.constant 0 : index
      %get3A_64 = arith.constant 0 : index
      %get3A_65 = vector.load %arg7[%get3A_63, %get3A_64] : memref<1x128xf32, #tpu.memory_space<vmem>>, vector<1x128xf32>
      %add3A_66 = vector.broadcast %get3A_65 : vector<1x128xf32> to vector<64x128xf32>
      %add3A_67 = arith.addf %dot_general3A_62, %add3A_66 : vector<64x128xf32>
      %swap3A = arith.constant 0 : index
      %swap3A_68 = arith.constant 0 : index
      %swap3A_69 = vector.load %arg8[%swap3A, %swap3A_68] : memref<64x128xf32, #tpu.memory_space<vmem>>, vector<64x128xf32>
      tpu.vector_store %arg8[%swap3A, %swap3A_68], %add3A_67 {strides = array<i32>} : memref<64x128xf32, #tpu.memory_space<vmem>>, vector<64x128xf32>,
    } else {
    }
    return
  }
  func.func @transform_0(%arg0: i32) -> (i32, i32, i32) {
    %c0_i32 = arith.constant 0 : i32
    %c0_i32_0 = arith.constant 0 : i32
    %c0_i32_1 = arith.constant 0 : i32
    return %c0_i32, %arg0, %c0_i32_0 : i32, i32, i32
  }
  func.func @transform_1(%arg0: i32) -> (i32, i32, i32) {
    %c0_i32 = arith.constant 0 : i32
    %c0_i32_0 = arith.constant 0 : i32
    %c0_i32_1 = arith.constant 0 : i32
    return %c0_i32, %arg0, %c0_i32_0 : i32, i32, i32
  }
  func.func @transform_2(%arg0: i32) -> (i32, i32, i32) {
    %c0_i32 = arith.constant 0 : i32
    %c0_i32_0 = arith.constant 0 : i32
    %c0_i32_1 = arith.constant 0 : i32
    return %c0_i32, %arg0, %c0_i32_0 : i32, i32, i32
  }
  func.func @transform_3(%arg0: i32) -> (i32, i32) {
    %c0_i32 = arith.constant 0 : i32
    %c0_i32_0 = arith.constant 0 : i32
    %c0_i32_1 = arith.constant 0 : i32
    return %c0_i32, %c0_i32_0 : i32, i32
  }
  func.func @transform_4(%arg0: i32) -> (i32, i32, i32) {
    %c0_i32 = arith.constant 0 : i32
    %c0_i32_0 = arith.constant 0 : i32
    %c0_i32_1 = arith.constant 0 : i32
    return %arg0, %c0_i32, %c0_i32_0 : i32, i32, i32
  }
  func.func @transform_5(%arg0: i32) -> (i32, i32) {
    %c0_i32 = arith.constant 0 : i32
    %c0_i32_0 = arith.constant 0 : i32
    %c0_i32_1 = arith.constant 0 : i32
    return %c0_i32, %c0_i32_0 : i32, i32
  }
  func.func @transform_6(%arg0: i32) -> (i32, i32) {
    %c0_i32 = arith.constant 0 : i32
    %c0_i32_0 = arith.constant 0 : i32
    %c0_i32_1 = arith.constant 0 : i32
    return %c0_i32, %c0_i32_0 : i32, i32
  }
  func.func @transform_7(%arg0: i32) -> (i32, i32) {
    %c0_i32 = arith.constant 0 : i32
    %c0_i32_0 = arith.constant 0 : i32
    %c0_i32_1 = arith.constant 0 : i32
    return %c0_i32, %c0_i32_0 : i32, i32
  }
}

</mosaic_0001>

<sc_bundles>
// kernel: kernel.11.cloned.1.call-start
scs
__scs_entry_jumppad:
0x0: {  	(pc) =	sbr.rel $0x88, $3  }
0x1: {  	(tag) =	ssettag $0x0;
	lr =	simm.s32 $0x1  }
0x2: {  	[smem:$0x3F98] =	sst lr;
	_ =	strace $0xD0000000  }
0x3: {  	_ = 	snop  }
0x4: {  	_ = 	snop  }
0x5: {  	_ = 	snop  }
0x6: {  	_ = 	snop  }
0x7: {  	_ = 	snop  }
__scs_overlays_trampoline_lowered:
0x8: {  	[smem:$0x3FA7] =	sst s0  }
0x9: {  	[smem:$0x3FA8] =	sst s1  }
0xa: {  	[smem:$0x3FA9] =	sst s2  }
0xb: {  	[smem:$0x3FAA] =	sst s3  }
0xc: {  	[smem:$0x3FAB] =	sst s4  }
0xd: {  	[smem:$0x3FAC] =	sst s5  }
0xe: {  	[smem:$0x3FAD] =	sst s6  }
0xf: {  	[smem:$0x3FAE] =	sst s7  }
0x10: {  	[smem:$0x3FAF] =	sst s8  }
0x11: {  	[smem:$0x3FB0] =	sst s9;
	s0 =	simm.s32 @!p0 $0x0  }
0x12: {  	s1 =	sld [smem:$0x3F96];
	s0 =	simm.s32 @p0 $0x1  }
0x13: {  	[smem:$0x3FB1] =	sst s0;
	s0 =	simm.s32 @!p1 $0x0  }
0x14: {  	s2 =	sld [smem:$0x3F95];
	s0 =	simm.s32 @p1 $0x1  }
0x15: {  	[smem:$0x3FB2] =	sst s0;
	s0 =	simm.s32 @!p2 $0x0  }
0x16: {  	s3 =	sld [smem:$0x3FDB];
	s0 =	simm.s32 @p2 $0x1  }
0x17: {  	s4 =	simm.s32 $0x1BF5;
	[smem:$0x3FB4] =	sst s0  }
0x18: {  	s0 =	sld [smem:$0x3F97];
	_ =	swait.ge [sflag:s4], $0x0  }
0x19: {  	s7 =	sld [smem:$0x3F98]  }
0x1a: {  	s8 =	sadd.s32 $0xFFFFE003, lr  }
0x1b: {  	s9 =	sadd.s32 $0xFFFFFEF7, lr;
	s5 =	simm.s32 $0xFFFFFFFF;
	p2 =	slt.u32 s8, $0xFFFFF086  }
0x1c: {  	p1 =	slt.u32 s9, $0xF7A;
	s5 =	simm.s32 @!p2 $0x0  }
0x1d: {  	s5 =	simm.s32 @p1 $0x1;
	p0 =	seq.s32 s7, s2  }
0x1e: {  	s7 =	smul.u32 @!p0 $0xF7A, s2;
	p2 =	seq.s32 @!p0 s5, $0x0  }
0x1f: {  	s9 =	smul.u32 $0xF7A, s1;
	s8 =	simm.s32 @!p0 $0x1BF5;
	p2 =	por !p2, p0  }
0x20: {  	[sflag:s8] =	ssyncset.s32 @!p0 $0xFFFFF086;
	s6 =	sadd.s32 @!p0 s3, s7;
	s7 =	simm.s32 @!p0 $0x108  }
0x21: {  	s3 =	sadd.s32 s3, s9;
	s6 =	sadd.s32 @!p0 $0x88, s6;
	s7 =	simm.s32 @p2 $0x1082  }
0x22: {  	[simem:s7], [sflag:s8] =	dma.local @!p0 [hbm:s6], $0xF7A  }
0x23: {  	s9 =	sor.u32 $0xD0000000, s2;
	s6 =	simm.s32 $0x108;
	_ =	swait.ge @!p0 [sflag:s8], $0x0  }
0x24: {  	s3 =	sadd.s32 $0x88, s3;
	s6 =	simm.s32 @!p1 $0x1082;
	[sflag:s4] =	ssyncset.s32 $0xFFFFF086  }
0x25: {  	[simem:s6], [sflag:s4] =	dma.local [hbm:s3], $0xF7A  }
0x26: {  	[smem:$0x3F98] =	sst s1;
	(tag) =	ssettag s2;
	_ =	strace s9  }
0x27: {  	s1 =	sld [smem:$0x3FA8]  }
0x28: {  	s2 =	sld [smem:$0x3FA9]  }
0x29: {  	s4 =	sld [smem:$0x3FAB]  }
0x2a: {  	p0 =	seq.s32 s5, $0x0;
	s5 =	sld [smem:$0x3FAC]  }
0x2b: {  	s6 =	sld [smem:$0x3FAD]  }
0x2c: {  	s7 =	sld [smem:$0x3FAE]  }
0x2d: {  	s3 =	simm.s32 $0x108;
	s8 =	sld [smem:$0x3FAF]  }
0x2e: {  	s3 =	simm.s32 @!p0 $0x1082;
	s9 =	sld [smem:$0x3FB0]  }
0x2f: {  	lr =	sadd.s32 s0, s3;
	s0 =	sld [smem:$0x3FA7]  }
0x30: {  	s3 =	sld [smem:$0x3FAA]  }
0x31: {  	[smem:$0x3FB3] =	sst s10  }
0x32: {  	s10 =	sld [smem:$0x3FB1];
	_ =	sdelay $0x3  }
0x33: {  	p0 =	seq.s32 s10, $0x1;
	s10 =	sld [smem:$0x3FB3];
	_ =	sdelay $0x3  }
0x34: {  	[smem:$0x3FB3] =	sst s10  }
0x35: {  	s10 =	sld [smem:$0x3FB2];
	_ =	sdelay $0x3  }
0x36: {  	p1 =	seq.s32 s10, $0x1;
	s10 =	sld [smem:$0x3FB3];
	_ =	sdelay $0x3  }
0x37: {  	[smem:$0x3FB3] =	sst s10  }
0x38: {  	s10 =	sld [smem:$0x3FB4]  }
0x39: {  	_ = 	snop;
	(pc) =	sbr.ind lr, $3  }
0x3a: {  	_ = 	snop  }
0x3b: {  	_ = 	snop  }
0x3c: {  	p2 =	seq.s32 s10, $0x1;
	s10 =	sld [smem:$0x3FB3]  }
0x3d: {  	_ =	shalt  }
0x3e: {  	_ =	shalt  }
0x3f: {  	_ =	shalt  }
0x40: {  	_ =	shalt  }
0x41: {  	_ =	shalt  }
0x42: {  	_ =	shalt  }
0x43: {  	_ =	shalt  }
0x44: {  	_ =	shalt  }
0x45: {  	_ =	shalt  }
0x46: {  	_ =	shalt  }
0x47: {  	_ =	shalt  }
0x48: {  	_ =	shalt  }
0x49: {  	_ =	shalt  }
0x4a: {  	_ =	shalt  }
0x4b: {  	_ =	shalt  }
0x4c: {  	_ =	shalt  }
0x4d: {  	_ =	shalt  }
0x4e: {  	_ =	shalt  }
0x4f: {  	_ =	shalt  }
0x50: {  	_ =	shalt  }
0x51: {  	_ =	shalt  }
0x52: {  	_ =	shalt  }
0x53: {  	_ =	shalt  }
0x54: {  	_ =	shalt  }
0x55: {  	_ =	shalt  }
0x56: {  	_ =	shalt  }
0x57: {  	_ =	shalt  }
0x58: {  	_ =	shalt  }
0x59: {  	_ =	shalt  }
0x5a: {  	_ =	shalt  }
0x5b: {  	_ =	shalt  }
0x5c: {  	_ =	shalt  }
0x5d: {  	_ =	shalt  }
0x5e: {  	_ =	shalt  }
0x5f: {  	_ =	shalt  }
0x60: {  	_ =	shalt  }
0x61: {  	_ =	shalt  }
0x62: {  	_ =	shalt  }
0x63: {  	_ =	shalt  }
0x64: {  	_ =	shalt  }
0x65: {  	_ =	shalt  }
0x66: {  	_ =	shalt  }
0x67: {  	_ =	shalt  }
0x68: {  	_ =	shalt  }
0x69: {  	_ =	shalt  }
0x6a: {  	_ =	shalt  }
0x6b: {  	_ =	shalt  }
0x6c: {  	_ =	shalt  }
0x6d: {  	_ =	shalt  }
0x6e: {  	_ =	shalt  }
0x6f: {  	_ =	shalt  }
0x70: {  	_ =	shalt  }
0x71: {  	_ =	shalt  }
0x72: {  	_ =	shalt  }
0x73: {  	_ =	shalt  }
0x74: {  	_ =	shalt  }
0x75: {  	_ =	shalt  }
0x76: {  	_ =	shalt  }
0x77: {  	_ =	shalt  }
0x78: {  	_ =	shalt  }
0x79: {  	_ =	shalt  }
0x7a: {  	_ =	shalt  }
0x7b: {  	_ =	shalt  }
0x7c: {  	_ =	shalt  }
0x7d: {  	_ =	shalt  }
0x7e: {  	_ =	shalt  }
0x7f: {  	_ =	shalt  }
0x80: {  	_ =	shalt  }
0x81: {  	_ =	shalt  }
0x82: {  	_ =	shalt  }
0x83: {  	_ =	shalt  }
0x84: {  	_ =	shalt  }
0x85: {  	_ =	shalt  }
0x86: {  	_ =	shalt  }
0x87: {  	_ =	shalt  }
.Lfunc_end0:
.L_simem_size_0:
called_computation.1_lowered:
.L_overlay_start_0:
0x88: {  	s2 =	sld [smem:$0x3FD9]  }
0x89: {  	s3 =	sld [smem:$0x3FFE];
	_ =	sdelay $0x1  }
0x8a: {  	s1 =	srdreg.scid  }
0x8b: {  	s0 =	sand.u32 $0x1, s1  }
0x8c: {  	s16 =	sshll.u32 s0, $0xA;
	s2 =	sadd.s32 s3, s2  }
0x8d: {  	s2 =	sadd.s32 s2, s16  }
0x8e: {  	[smem:$0x3FBF] =	sst s2  }
0x8f: {  	_ = 	snop  }
0x90: {  	(tm) =	ssettm $0x1  }
0x91: {  	s17 =	sld [smem:$0x3FFB];
	_ =	sdelay $0x3  }
0x92: {  	_ =	strace s17  }
0x93: {  	s2 =	sld [smem:$0x3FFC];
	_ =	sdelay $0x3  }
0x94: {  	_ =	strace s2  }
0x95: {  	s2 =	sld [smem:$0x3FFD];
	_ =	sdelay $0x3  }
0x96: {  	_ =	strace s2  }
0x97: {  	_ =	strace $0x8FFFFFFF  }
0x98: {  	s18 =	sld [smem:$0x3FDB];
	_ =	sdelay $0x1  }
0x99: {  	s19 =	simm.s32 $_scs_section_size  }
0x9a: {  	s4 =	simm.s32 $_size__tile_overlayer_lowered;
	s5 =	simm.s32 $_tile_overlayer_lowered  }
0x9b: {  	s22 =	simm.s32 $0x1BFF;
	s21 =	sshll.u32 s5, $0x1;
	s2 =	sadd.s32 s19, s18  }
0x9c: {  	s6 =	simm.s32 $0x0;
	s20 =	sshll.u32 s4, $0x1;
	s4 =	sadd.s32 s21, s2  }
0x9d: {  	[timem:s6], [sflag:s22] =	dma.local [hbm:s4], s20  }
0x9e: {  	_ =	swait.ge [sflag:s22], s20  }
0x9f: {  	s3 =	ssub.s32 $0x0, s20;
	[sflag:s22] =	ssyncset.done $0x0  }
0xa0: {  	[sflag:s22] =	ssyncadd.s32 s3;
	_ =	sdelay $0x1  }
0xa1: {  	s23 =	simm.s32 $0x1B8B  }
0xa2: {  	_ =	swait.ge [sflag:s23], $0x1  }
0xa3: {  	[sflag:s23] =	ssyncset.done $0x0  }
0xa4: {  	s25 =	simm.s32 $0x1B8E;
	s24 =	sld [smem:$0x3FFE];
	[sflag:s23] =	ssyncadd.s32 $0xFFFFFFFF  }
0xa5: {  	s26 =	simm.s32 $execute0_lowered;
	[smem:$0x3FD2] =	sst s25  }
0xa6: {  	s4 =	sshll.u32 s26, $0x1;
	_ =	strace $0x80000049;
	[dreg:$0x1] =	wrdreg $0xFFFFFFFF  }
0xa7: {  	s28 =	simm.s32 $_size_execute0_lowered;
	s2 =	sadd.s32 s2, s4;
	[dreg:$0x0] =	wrdreg $0x0  }
0xa8: {  	s4 =	sshll.u32 s28, $0x1;
	[dreg:$0x2] =	wrdreg s2  }
0xa9: {  	[dreg:$0x3] =	wrdreg s4  }
0xaa: {  	[dreg:$0x4] =	wrdreg $0xC0  }
0xab: {  	_ =	task [dreg:s6], $0x5FFFF  }
0xac: {  	[dreg:$0x1] =	wrdreg $0xFFFFFFFF  }
0xad: {  	[dreg:$0x0] =	wrdreg $0x60  }
0xae: {  	[dreg:$0x2] =	wrdreg s24  }
0xaf: {  	[dreg:$0x3] =	wrdreg $0x140000  }
0xb0: {  	[dreg:$0x4] =	wrdreg $0x9  }
0xb1: {  	_ =	task.clear_ibuf [dreg:s6], $0x5FFFF;
	_ =	strace $0x90000049  }
0xb2: {  	s29 =	simm.s32 $0x9;
	_ =	strace $0x8000004B  }
0xb3: {  	_ =	swait.ge [sflag:s29], $0x1  }
0xb4: {  	[sflag:s29] =	ssyncadd.s32 $0xFFFFFFFF  }
0xb5: {  	_ =	strace $0x9000004B  }
0xb6: {  	_ =	sfence  }
0xb7: {  	s30 =	sld [smem:$0x0];
	_ =	sdelay $0x2  }
0xb8: {  	s31 =	sshll.u32 s1, $0xD;
	s1 =	sshrl.u32 s1, $0x2  }
0xb9: {  	s3 =	sand.u32 $0x4000, s31;
	s1 =	sadd.s32 s1, s30  }
0xba: {  	s0 =	sor.u32 s3, s0;
	s1 =	sshll.u32 s1, $0x11  }
0xbb: {  	s0 =	sor.u32 s1, s0  }
0xbc: {  	s0 =	sadd.s32 $0x8F2B, s0  }
0xbd: {  	[sflag:s0] =	ssyncadd.remote.s32 $0x1  }
0xbe: {  	_ =	sfence.sel $0xFFFF  }
0xbf: {  	[dreg:$0x0] =	wrdreg $0xFFFFFFFF;
	(pc) =	sbr.abs _section_cstart, $3  }
0xc0: {  	[dreg:$0x1] =	wrdreg $0xFFFFFFFF  }
0xc1: {  	_ =	task.clear_ibuf [dreg:s6], $0x2FFFF;
	_ =	strace $0x9FFFFFFF  }
0xc2: {  	(tm) =	ssettm $0x7FFFFFFF  }
0xc3: {  	_ =	shalt  }
tec
execute0_lowered:
.L_overlay_start_1:
0x0: {  	(tag) =	ssettag $0x1  }
0x1: {  	s0 =	rddreg [dreg:$0x0]  }
0x2: {  	s1 =	srdreg.scid;
	s2 =	rddreg [dreg:$0x1]  }
0x3: {  	s8 =	stileid.u32;
	s5 =	simm.s32 $0x0;
	s13 =	simm.s32 $0x9  }
0x4: {  	s14 =	simm.s32 $0x5000;
	s15 =	simm.s32 $0x12000;
	s16 =	simm.s32 $0x80  }
0x5: {  	s17 =	simm.s32 $0xA000;
	s18 =	simm.s32 $0xC000;
	s19 =	simm.s32 $0x1  }
0x6: {  	s21 =	simm.s32 $0xE000;
	s28 =	simm.s32 $0x10000;
	s4 =	smul.u32 $0xA00, s8  }
0x7: {  	s29 =	simm.s32 $0x3;
	s31 =	simm.s32 $0x5;
	s6 =	smul.u32 $0x27800, s8  }
0x8: {  	s30 =	simm.s32 $0x7;
	s1 =	sand.u32 $0x1, s1;
	s9 =	smul.u32 $0x9E00, s8  }
0x9: {  	s20 =	simm.s32 $0x0;
	[smem:$0x7FF] =	sst s5;
	s3 =	smul.u32 $0x13880, s1  }
0xa: {  	s22 =	smul.u32 $0x13C00, s1;
	_ =	strace $0x8000004A;
	s1 =	ssub.s32 $0x2, s1  }
0xb: {  	s4 =	sadd.s32 s4, s0;
	s7 =	sshrl.u32 s1, $0x1;
	s23 =	sshrl.u32 s6, $0x2  }
0xc: {  	s25 =	sshrl.u32 s9, $0x3;
	s26 =	sadd.s32 s9, s2;
	s3 =	sadd.s32 s3, s0  }
0xd: {  	s0 =	sadd.s32 s22, s0;
	s1 =	ssub.s32 s1, s7;
	s24 =	sadd.s32 $0xB600, s4  }
0xe: {  	s5 =	sadd.s32 s23, s2;
	s4 =	sadd.s32 $0x1600, s4;
	[dreg:$0x3] =	wrdreg s24  }
.Ltmp0:
0xf: {  	s22 =	simm.s32 $0x2;
	[dreg:$0x4] =	wrdreg s4;
	(pc) =	sbr.rel .LBB2_1-.Ltmp0, $4  }
0x10: {  	s7 =	sadd.s32 $0x8000, s5;
	s8 =	sadd.s32 $0x6E400, s3;
	s0 =	sadd.s32 $0x95600, s0  }
0x11: {  	s9 =	smax.u32 s1, $0x1;
	s10 =	sadd.s32 $0x2000, s5;
	s11 =	sadd.s32 $0x4000, s5  }
0x12: {  	s12 =	sadd.s32 $0x6000, s5;
	s1 =	simm.s32 $0x4;
	s24 =	simm.s32 $0x6  }
0x13: {  	v0 =	vimm.f32 $0.0e+00;
	s23 =	sadd.s32 s25, s0;
	s25 =	sshrl.u32 s26, $0x3;
	s0 =	simm.s32 $0x8  }
.LBB2_6:
0x14: {  	_ =	swait.ge [sflag:s1], $0x2000  }
0x15: {  	[sflag:s1] =	ssyncset.done $0x0  }
0x16: {  	[sflag:s1] =	ssyncadd.s32 $0xFFFFE000  }
0x17: {  	[spmem:s2] =	stream.indirect.scatter.add.f32 [tilespmem:s28], [sflag:$0x8], $0x40, s4, s16, $0xb8;
	[tilespmem:$0x1DE00] =	vst v63  }
0x18: {  	_ =	swait.ge [sflag:s24], $0x2000  }
0x19: {  	[sflag:s24] =	ssyncset.done $0x0  }
0x1a: {  	[sflag:s24] =	ssyncadd.s32 $0xFFFFE000  }
0x1b: {  	_ =	swait.ge [sflag:s30], $0x2000  }
0x1c: {  	[sflag:s30] =	ssyncset.done $0x0  }
0x1d: {  	[sflag:s30] =	ssyncadd.s32 $0xFFFFE000  }
0x1e: {  	_ =	swait.ge [sflag:s0], $0x2000  }
0x1f: {  	s3 =	stileid.u32;
	s20 =	sadd.s32 $0x1, s20;
	[sflag:s0] =	ssyncset.done $0x0  }
0x20: {  	s3 =	sshll.u32 s3, $0x6;
	p0 =	sne.s32 s20, s9;
	[sflag:s0] =	ssyncadd.s32 $0xFFFFE000  }
.Ltmp1:
0x21: {  	s3 =	sor.u32 $0x1C09, s3;
	[bflag:$0x0] =	sbarrier.arrive $0xFFFF;
	(pc) =	sbr.rel @!p0 .LBB2_7-.Ltmp1, $4  }
0x22: {  	[hbm:s23], [sflag:s3] =	dma.local [spmem:s25], $0x13C0  }
0x23: {  	_ =	swait.ge [sflag:s13], $0x13C0  }
0x24: {  	[sflag:s13] =	ssyncset.done $0x0  }
0x25: {  	[sflag:s13] =	ssyncadd.s32 $0xFFFFEC40  }
.LBB2_1:
0x26: {  	s3 =	simm.s32 $0x0;
	s4 =	rddreg [dreg:$0x3]  }
0x27: {  	[tilespmem:s3], [sflag:$0x9] =	stream.linear.gather [hbm4b:s4+s3], $0x5000, $0x38;
	[tilespmem:$0x1DE00] =	vst v63  }
0x28: {  	_ =	swait.ge [sflag:s13], $0x5000  }
0x29: {  	[sflag:s13] =	ssyncset.done $0x0  }
0x2a: {  	s26 =	rddreg [dreg:$0x4];
	[sflag:s13] =	ssyncadd.s32 $0xFFFFB000  }
0x2b: {  	[tilespmem:s14], [sflag:$0x9] =	stream.linear.gather [hbm4b:s26+s3], $0x5000, $0x38;
	[tilespmem:$0x1DE00] =	vst v63  }
0x2c: {  	_ =	swait.ge [sflag:s13], $0x5000  }
0x2d: {  	[sflag:s13] =	ssyncset.done $0x0  }
0x2e: {  	s26 =	simm.s32 $0x100;
	s3 =	simm.s32 $0x0;
	[sflag:s13] =	ssyncadd.s32 $0xFFFFB000  }
.LBB2_2:
0x2f: {  	p0 =	sne.s32 s26, $0x7F00;
	[tilespmem:s3+$0x12030] =	vst v0;
	s4 =	smov.u32 s26;
	s26 =	sadd.s32 $0x100, s26  }
.Ltmp2:
0x30: {  	[tilespmem:s3+$0x12020] =	vst v0;
	(pc) =	sbr.rel @p0 .LBB2_2-.Ltmp2, $3  }
0x31: {  	[tilespmem:s3+$0x12000] =	vst v0  }
0x32: {  	[tilespmem:s3+$0x12010] =	vst v0;
	_ =	sdelay $0x1  }
0x33: {  	s3 =	sshra.s32 s4, $0x2  }
0x34: {  	[tilespmem:s3+$0x12030] =	vst v0  }
0x35: {  	[tilespmem:s3+$0x12020] =	vst v0  }
0x36: {  	[tilespmem:s3+$0x12000] =	vst v0  }
0x37: {  	[tilespmem:s3+$0x12010] =	vst v0  }
0x38: {  	[spmem:s5] =	stream.linear.scatter [tilespmem:s15], [sflag:$0x9], $0x2000, $0x38;
	[tilespmem:$0x1DE00] =	vst v63  }
0x39: {  	_ =	swait.ge [sflag:s13], $0x2000  }
0x3a: {  	[sflag:s13] =	ssyncset.done $0x0  }
0x3b: {  	[sflag:s13] =	ssyncadd.s32 $0xFFFFE000  }
0x3c: {  	[spmem:s10] =	stream.linear.scatter [tilespmem:s15], [sflag:$0x9], $0x2000, $0x38;
	[tilespmem:$0x1DE00] =	vst v63  }
0x3d: {  	_ =	swait.ge [sflag:s13], $0x2000  }
0x3e: {  	[sflag:s13] =	ssyncset.done $0x0  }
0x3f: {  	[sflag:s13] =	ssyncadd.s32 $0xFFFFE000  }
0x40: {  	[spmem:s11] =	stream.linear.scatter [tilespmem:s15], [sflag:$0x9], $0x2000, $0x38;
	[tilespmem:$0x1DE00] =	vst v63  }
0x41: {  	_ =	swait.ge [sflag:s13], $0x2000  }
0x42: {  	[sflag:s13] =	ssyncset.done $0x0  }
0x43: {  	[sflag:s13] =	ssyncadd.s32 $0xFFFFE000  }
0x44: {  	[spmem:s12] =	stream.linear.scatter [tilespmem:s15], [sflag:$0x9], $0x2000, $0x38;
	[tilespmem:$0x1DE00] =	vst v63  }
0x45: {  	_ =	swait.ge [sflag:s13], $0x2000  }
0x46: {  	[sflag:s13] =	ssyncset.done $0x0  }
0x47: {  	[sflag:s13] =	ssyncadd.s32 $0xFFFFE000  }
0x48: {  	[spmem:s7] =	stream.linear.scatter [tilespmem:s15], [sflag:$0x9], $0x1E00, $0x38;
	[tilespmem:$0x1DE00] =	vst v63  }
0x49: {  	_ =	swait.ge [sflag:s13], $0x1E00  }
0x4a: {  	[sflag:s13] =	ssyncset.done $0x0  }
0x4b: {  	[sflag:s13] =	ssyncadd.s32 $0xFFFFE200  }
0x4c: {  	s26 =	simm.s32 $0x0;
	[bflag:$0x0] =	sbarrier.arrive $0xFFFF  }
0x4d: {  	[tilespmem:s17], [sflag:$0x1] =	stream.indirect.gather [hbm4b:s8+s16], $0x40, s26, s16, $0xb8;
	[tilespmem:$0x1DE00] =	vst v63  }
0x4e: {  	_ = 	snop  }
0x4f: {  	[tilespmem:s18], [sflag:$0x2] =	stream.indirect.gather [hbm4b:s8+s16], $0x40, s16, s16, $0xb8;
	[tilespmem:$0x1DE00] =	vst v63  }
0x50: {  	_ =	swait.ge [sflag:s19], $0x2000  }
0x51: {  	[sflag:s19] =	ssyncset.done $0x0  }
0x52: {  	[sflag:s19] =	ssyncadd.s32 $0xFFFFE000  }
0x53: {  	[spmem:s2] =	stream.indirect.scatter.add.f32 [tilespmem:s17], [sflag:$0x5], $0x40, s14, s16, $0xb8;
	[tilespmem:$0x1DE00] =	vst v63  }
0x54: {  	s6 =	simm.s32 $0x100  }
0x55: {  	[tilespmem:s21], [sflag:$0x3] =	stream.indirect.gather [hbm4b:s8+s16], $0x40, s6, s16, $0xb8;
	[tilespmem:$0x1DE00] =	vst v63  }
0x56: {  	_ =	swait.ge [sflag:s22], $0x2000  }
0x57: {  	[sflag:s22] =	ssyncset.done $0x0  }
0x58: {  	s4 =	simm.s32 $0x5080;
	[sflag:s22] =	ssyncadd.s32 $0xFFFFE000  }
0x59: {  	[spmem:s2] =	stream.indirect.scatter.add.f32 [tilespmem:s18], [sflag:$0x6], $0x40, s4, s16, $0xb8;
	[tilespmem:$0x1DE00] =	vst v63  }
0x5a: {  	s6 =	simm.s32 $0x180  }
0x5b: {  	[tilespmem:s28], [sflag:$0x4] =	stream.indirect.gather [hbm4b:s8+s16], $0x40, s6, s16, $0xb8;
	[tilespmem:$0x1DE00] =	vst v63  }
0x5c: {  	_ =	swait.ge [sflag:s29], $0x2000  }
0x5d: {  	[sflag:s29] =	ssyncset.done $0x0  }
0x5e: {  	s4 =	simm.s32 $0x5100;
	[sflag:s29] =	ssyncadd.s32 $0xFFFFE000  }
0x5f: {  	[spmem:s2] =	stream.indirect.scatter.add.f32 [tilespmem:s21], [sflag:$0x7], $0x40, s4, s16, $0xb8;
	[tilespmem:$0x1DE00] =	vst v63  }
0x60: {  	_ =	swait.ge [sflag:s31], $0x2000  }
0x61: {  	[sflag:s31] =	ssyncset.done $0x0  }
0x62: {  	s6 =	simm.s32 $0x200;
	[sflag:s31] =	ssyncadd.s32 $0xFFFFE000  }
0x63: {  	[tilespmem:s17], [sflag:$0x1] =	stream.indirect.gather [hbm4b:s8+s16], $0x40, s6, s16, $0xb8;
	[tilespmem:$0x1DE00] =	vst v63  }
0x64: {  	_ =	swait.ge [sflag:s1], $0x2000  }
0x65: {  	[sflag:s1] =	ssyncset.done $0x0  }
0x66: {  	s4 =	simm.s32 $0x5180;
	[sflag:s1] =	ssyncadd.s32 $0xFFFFE000  }
0x67: {  	[spmem:s2] =	stream.indirect.scatter.add.f32 [tilespmem:s28], [sflag:$0x8], $0x40, s4, s16, $0xb8;
	[tilespmem:$0x1DE00] =	vst v63  }
0x68: {  	_ =	swait.ge [sflag:s24], $0x2000  }
0x69: {  	[sflag:s24] =	ssyncset.done $0x0  }
0x6a: {  	s6 =	simm.s32 $0x280;
	[sflag:s24] =	ssyncadd.s32 $0xFFFFE000  }
0x6b: {  	[tilespmem:s18], [sflag:$0x2] =	stream.indirect.gather [hbm4b:s8+s16], $0x40, s6, s16, $0xb8;
	[tilespmem:$0x1DE00] =	vst v63  }
.LBB2_4:
0x6c: {  	_ =	swait.ge [sflag:s19], $0x2000  }
0x6d: {  	s3 =	sshra.s32 s26, $0x2;
	[sflag:s19] =	ssyncset.done $0x0  }
0x6e: {  	s4 =	sadd.s32 $0x5200, s3;
	[sflag:s19] =	ssyncadd.s32 $0xFFFFE000  }
0x6f: {  	[spmem:s2] =	stream.indirect.scatter.add.f32 [tilespmem:s17], [sflag:$0x5], $0x40, s4, s16, $0xb8;
	[tilespmem:$0x1DE00] =	vst v63  }
0x70: {  	_ =	swait.ge [sflag:s30], $0x2000  }
0x71: {  	[sflag:s30] =	ssyncset.done $0x0  }
0x72: {  	s6 =	sadd.s32 $0x300, s3;
	[sflag:s30] =	ssyncadd.s32 $0xFFFFE000  }
0x73: {  	[tilespmem:s21], [sflag:$0x3] =	stream.indirect.gather [hbm4b:s8+s16], $0x40, s6, s16, $0xb8;
	[tilespmem:$0x1DE00] =	vst v63  }
0x74: {  	_ =	swait.ge [sflag:s22], $0x2000  }
0x75: {  	[sflag:s22] =	ssyncset.done $0x0  }
0x76: {  	s6 =	sadd.s32 $0x5280, s3;
	[sflag:s22] =	ssyncadd.s32 $0xFFFFE000  }
0x77: {  	[spmem:s2] =	stream.indirect.scatter.add.f32 [tilespmem:s18], [sflag:$0x6], $0x40, s6, s16, $0xb8;
	[tilespmem:$0x1DE00] =	vst v63  }
0x78: {  	_ =	swait.ge [sflag:s0], $0x2000  }
0x79: {  	[sflag:s0] =	ssyncset.done $0x0  }
0x7a: {  	s6 =	sadd.s32 $0x380, s3;
	[sflag:s0] =	ssyncadd.s32 $0xFFFFE000  }
0x7b: {  	[tilespmem:s28], [sflag:$0x4] =	stream.indirect.gather [hbm4b:s8+s16], $0x40, s6, s16, $0xb8;
	[tilespmem:$0x1DE00] =	vst v63  }
0x7c: {  	_ =	swait.ge [sflag:s29], $0x2000  }
0x7d: {  	p0 =	seq.s32 s26, $0x13000;
	[sflag:s29] =	ssyncset.done $0x0  }
.Ltmp3:
0x7e: {  	s6 =	sadd.s32 $0x5300, s3;
	[sflag:s29] =	ssyncadd.s32 $0xFFFFE000;
	(pc) =	sbr.rel @p0 .LBB2_6-.Ltmp3, $4  }
0x7f: {  	[spmem:s2] =	stream.indirect.scatter.add.f32 [tilespmem:s21], [sflag:$0x7], $0x40, s6, s16, $0xb8;
	[tilespmem:$0x1DE00] =	vst v63  }
0x80: {  	_ =	swait.ge [sflag:s31], $0x2000  }
0x81: {  	[sflag:s31] =	ssyncset.done $0x0  }
0x82: {  	s4 =	sadd.s32 $0x5380, s3;
	[sflag:s31] =	ssyncadd.s32 $0xFFFFE000  }
0x83: {  	s6 =	sadd.s32 $0x400, s3  }
0x84: {  	[tilespmem:s17], [sflag:$0x1] =	stream.indirect.gather [hbm4b:s8+s16], $0x40, s6, s16, $0xb8;
	[tilespmem:$0x1DE00] =	vst v63  }
0x85: {  	_ =	swait.ge [sflag:s1], $0x2000  }
0x86: {  	[sflag:s1] =	ssyncset.done $0x0  }
0x87: {  	[sflag:s1] =	ssyncadd.s32 $0xFFFFE000  }
0x88: {  	[spmem:s2] =	stream.indirect.scatter.add.f32 [tilespmem:s28], [sflag:$0x8], $0x40, s4, s16, $0xb8;
	[tilespmem:$0x1DE00] =	vst v63  }
.Ltmp4:
0x89: {  	_ = 	snop;
	(pc) =	sbr.rel .LBB2_4-.Ltmp4, $4  }
0x8a: {  	_ =	swait.ge [sflag:s24], $0x2000  }
0x8b: {  	[sflag:s24] =	ssyncset.done $0x0  }
0x8c: {  	s26 =	sadd.s32 $0x800, s26;
	s6 =	sadd.s32 $0x480, s3;
	[sflag:s24] =	ssyncadd.s32 $0xFFFFE000  }
0x8d: {  	[tilespmem:s18], [sflag:$0x2] =	stream.indirect.gather [hbm4b:s8+s16], $0x40, s6, s16, $0xb8;
	[tilespmem:$0x1DE00] =	vst v63  }
.LBB2_7:
0x8e: {  	_ =	sfence.sel $0x180000  }
0x8f: {  	[bflag:$0x0] =	sbarrier.arrive $0xFFFF  }
0x90: {  	_ =	strace $0x9000004A  }
0x91: {  	s0 =	stileid.u32;
	[bflag:$0x2] =	sbarrier.arrive $0xFFFF  }
0x92: {  	p0 =	sne.s32 s0, $0x0;
	s0 =	rddreg [dreg:$0x2]  }
0x93: {  	s0 =	sadd.s32 @!p0 $0x100000, s0  }
0x94: {  	[sflag:s0] =	ssyncadd.tile.s32 @!p0 $0x1;
	_ =	shalt  }
.Lfunc_end2:
_tile_overlayer_lowered:
.L_overlay_start_2:
0x95: {  	(tag) =	ssettag $0x2  }
0x96: {  	s0 =	rddreg [dreg:$0x0];
	s2 =	stileid.u32  }
0x97: {  	s1 =	rddreg [dreg:$0x1];
	p0 =	sne.s32 s2, $0x0  }
0x98: {  	s3 =	rddreg [dreg:$0x2];
	[bflag:$0x3] =	sbarrier.arrive $0xFFFF;
	s2 =	simm.s32 @!p0 $0x1C09  }
0x99: {  	[timem:s3], [sflag:s2] =	dma.local @!p0 [hbm:s0], s1  }
0x9a: {  	s0 =	simm.s32 @!p0 $0x9  }
0x9b: {  	_ =	swait.ge @!p0 [sflag:s0], s1  }
0x9c: {  	s1 =	ssub.s32 @!p0 $0x0, s1;
	[sflag:s0] =	ssyncset.done @!p0 $0x0  }
0x9d: {  	[sflag:s0] =	ssyncadd.s32 @!p0 s1  }
0x9e: {  	[bflag:$0x3] =	sbarrier.arrive $0xFFFF  }
0x9f: {  	_ =	shalt  }

// kernel: kernel.14.cloned.1.call-start
scs
__scs_entry_jumppad:
0x0: {  	(pc) =	sbr.rel $0x88, $3  }
0x1: {  	(tag) =	ssettag $0x0;
	lr =	simm.s32 $0x1  }
0x2: {  	[smem:$0x3F98] =	sst lr;
	_ =	strace $0xD0000000  }
0x3: {  	_ = 	snop  }
0x4: {  	_ = 	snop  }
0x5: {  	_ = 	snop  }
0x6: {  	_ = 	snop  }
0x7: {  	_ = 	snop  }
__scs_overlays_trampoline_lowered:
0x8: {  	[smem:$0x3FA7] =	sst s0  }
0x9: {  	[smem:$0x3FA8] =	sst s1  }
0xa: {  	[smem:$0x3FA9] =	sst s2  }
0xb: {  	[smem:$0x3FAA] =	sst s3  }
0xc: {  	[smem:$0x3FAB] =	sst s4  }
0xd: {  	[smem:$0x3FAC] =	sst s5  }
0xe: {  	[smem:$0x3FAD] =	sst s6  }
0xf: {  	[smem:$0x3FAE] =	sst s7  }
0x10: {  	[smem:$0x3FAF] =	sst s8  }
0x11: {  	[smem:$0x3FB0] =	sst s9;
	s0 =	simm.s32 @!p0 $0x0  }
0x12: {  	s1 =	sld [smem:$0x3F96];
	s0 =	simm.s32 @p0 $0x1  }
0x13: {  	[smem:$0x3FB1] =	sst s0;
	s0 =	simm.s32 @!p1 $0x0  }
0x14: {  	s2 =	sld [smem:$0x3F95];
	s0 =	simm.s32 @p1 $0x1  }
0x15: {  	[smem:$0x3FB2] =	sst s0;
	s0 =	simm.s32 @!p2 $0x0  }
0x16: {  	s3 =	sld [smem:$0x3FDB];
	s0 =	simm.s32 @p2 $0x1  }
0x17: {  	s4 =	simm.s32 $0x1BF5;
	[smem:$0x3FB4] =	sst s0  }
0x18: {  	s0 =	sld [smem:$0x3F97];
	_ =	swait.ge [sflag:s4], $0x0  }
0x19: {  	s7 =	sld [smem:$0x3F98]  }
0x1a: {  	s8 =	sadd.s32 $0xFFFFE003, lr  }
0x1b: {  	s9 =	sadd.s32 $0xFFFFFEF7, lr;
	s5 =	simm.s32 $0xFFFFFFFF;
	p2 =	slt.u32 s8, $0xFFFFF086  }
0x1c: {  	p1 =	slt.u32 s9, $0xF7A;
	s5 =	simm.s32 @!p2 $0x0  }
0x1d: {  	s5 =	simm.s32 @p1 $0x1;
	p0 =	seq.s32 s7, s2  }
0x1e: {  	s7 =	smul.u32 @!p0 $0xF7A, s2;
	p2 =	seq.s32 @!p0 s5, $0x0  }
0x1f: {  	s9 =	smul.u32 $0xF7A, s1;
	s8 =	simm.s32 @!p0 $0x1BF5;
	p2 =	por !p2, p0  }
0x20: {  	[sflag:s8] =	ssyncset.s32 @!p0 $0xFFFFF086;
	s6 =	sadd.s32 @!p0 s3, s7;
	s7 =	simm.s32 @!p0 $0x108  }
0x21: {  	s3 =	sadd.s32 s3, s9;
	s6 =	sadd.s32 @!p0 $0x88, s6;
	s7 =	simm.s32 @p2 $0x1082  }
0x22: {  	[simem:s7], [sflag:s8] =	dma.local @!p0 [hbm:s6], $0xF7A  }
0x23: {  	s9 =	sor.u32 $0xD0000000, s2;
	s6 =	simm.s32 $0x108;
	_ =	swait.ge @!p0 [sflag:s8], $0x0  }
0x24: {  	s3 =	sadd.s32 $0x88, s3;
	s6 =	simm.s32 @!p1 $0x1082;
	[sflag:s4] =	ssyncset.s32 $0xFFFFF086  }
0x25: {  	[simem:s6], [sflag:s4] =	dma.local [hbm:s3], $0xF7A  }
0x26: {  	[smem:$0x3F98] =	sst s1;
	(tag) =	ssettag s2;
	_ =	strace s9  }
0x27: {  	s1 =	sld [smem:$0x3FA8]  }
0x28: {  	s2 =	sld [smem:$0x3FA9]  }
0x29: {  	s4 =	sld [smem:$0x3FAB]  }
0x2a: {  	p0 =	seq.s32 s5, $0x0;
	s5 =	sld [smem:$0x3FAC]  }
0x2b: {  	s6 =	sld [smem:$0x3FAD]  }
0x2c: {  	s7 =	sld [smem:$0x3FAE]  }
0x2d: {  	s3 =	simm.s32 $0x108;
	s8 =	sld [smem:$0x3FAF]  }
0x2e: {  	s3 =	simm.s32 @!p0 $0x1082;
	s9 =	sld [smem:$0x3FB0]  }
0x2f: {  	lr =	sadd.s32 s0, s3;
	s0 =	sld [smem:$0x3FA7]  }
0x30: {  	s3 =	sld [smem:$0x3FAA]  }
0x31: {  	[smem:$0x3FB3] =	sst s10  }
0x32: {  	s10 =	sld [smem:$0x3FB1];
	_ =	sdelay $0x3  }
0x33: {  	p0 =	seq.s32 s10, $0x1;
	s10 =	sld [smem:$0x3FB3];
	_ =	sdelay $0x3  }
0x34: {  	[smem:$0x3FB3] =	sst s10  }
0x35: {  	s10 =	sld [smem:$0x3FB2];
	_ =	sdelay $0x3  }
0x36: {  	p1 =	seq.s32 s10, $0x1;
	s10 =	sld [smem:$0x3FB3];
	_ =	sdelay $0x3  }
0x37: {  	[smem:$0x3FB3] =	sst s10  }
0x38: {  	s10 =	sld [smem:$0x3FB4]  }
0x39: {  	_ = 	snop;
	(pc) =	sbr.ind lr, $3  }
0x3a: {  	_ = 	snop  }
0x3b: {  	_ = 	snop  }
0x3c: {  	p2 =	seq.s32 s10, $0x1;
	s10 =	sld [smem:$0x3FB3]  }
0x3d: {  	_ =	shalt  }
0x3e: {  	_ =	shalt  }
0x3f: {  	_ =	shalt  }
0x40: {  	_ =	shalt  }
0x41: {  	_ =	shalt  }
0x42: {  	_ =	shalt  }
0x43: {  	_ =	shalt  }
0x44: {  	_ =	shalt  }
0x45: {  	_ =	shalt  }
0x46: {  	_ =	shalt  }
0x47: {  	_ =	shalt  }
0x48: {  	_ =	shalt  }
0x49: {  	_ =	shalt  }
0x4a: {  	_ =	shalt  }
0x4b: {  	_ =	shalt  }
0x4c: {  	_ =	shalt  }
0x4d: {  	_ =	shalt  }
0x4e: {  	_ =	shalt  }
0x4f: {  	_ =	shalt  }
0x50: {  	_ =	shalt  }
0x51: {  	_ =	shalt  }
0x52: {  	_ =	shalt  }
0x53: {  	_ =	shalt  }
0x54: {  	_ =	shalt  }
0x55: {  	_ =	shalt  }
0x56: {  	_ =	shalt  }
0x57: {  	_ =	shalt  }
0x58: {  	_ =	shalt  }
0x59: {  	_ =	shalt  }
0x5a: {  	_ =	shalt  }
0x5b: {  	_ =	shalt  }
0x5c: {  	_ =	shalt  }
0x5d: {  	_ =	shalt  }
0x5e: {  	_ =	shalt  }
0x5f: {  	_ =	shalt  }
0x60: {  	_ =	shalt  }
0x61: {  	_ =	shalt  }
0x62: {  	_ =	shalt  }
0x63: {  	_ =	shalt  }
0x64: {  	_ =	shalt  }
0x65: {  	_ =	shalt  }
0x66: {  	_ =	shalt  }
0x67: {  	_ =	shalt  }
0x68: {  	_ =	shalt  }
0x69: {  	_ =	shalt  }
0x6a: {  	_ =	shalt  }
0x6b: {  	_ =	shalt  }
0x6c: {  	_ =	shalt  }
0x6d: {  	_ =	shalt  }
0x6e: {  	_ =	shalt  }
0x6f: {  	_ =	shalt  }
0x70: {  	_ =	shalt  }
0x71: {  	_ =	shalt  }
0x72: {  	_ =	shalt  }
0x73: {  	_ =	shalt  }
0x74: {  	_ =	shalt  }
0x75: {  	_ =	shalt  }
0x76: {  	_ =	shalt  }
0x77: {  	_ =	shalt  }
0x78: {  	_ =	shalt  }
0x79: {  	_ =	shalt  }
0x7a: {  	_ =	shalt  }
0x7b: {  	_ =	shalt  }
0x7c: {  	_ =	shalt  }
0x7d: {  	_ =	shalt  }
0x7e: {  	_ =	shalt  }
0x7f: {  	_ =	shalt  }
0x80: {  	_ =	shalt  }
0x81: {  	_ =	shalt  }
0x82: {  	_ =	shalt  }
0x83: {  	_ =	shalt  }
0x84: {  	_ =	shalt  }
0x85: {  	_ =	shalt  }
0x86: {  	_ =	shalt  }
0x87: {  	_ =	shalt  }
.Lfunc_end0:
.L_simem_size_0:
called_computation.2_lowered:
.L_overlay_start_0:
0x88: {  	s2 =	sld [smem:$0x3FD9]  }
0x89: {  	s3 =	sld [smem:$0x3FFE];
	_ =	sdelay $0x1  }
0x8a: {  	s1 =	srdreg.scid  }
0x8b: {  	s0 =	sand.u32 $0x1, s1  }
0x8c: {  	s16 =	sshll.u32 s0, $0xA;
	s2 =	sadd.s32 s3, s2  }
0x8d: {  	s2 =	sadd.s32 s2, s16  }
0x8e: {  	[smem:$0x3FBF] =	sst s2  }
0x8f: {  	_ = 	snop  }
0x90: {  	(tm) =	ssettm $0x1  }
0x91: {  	s17 =	sld [smem:$0x3FFB];
	_ =	sdelay $0x3  }
0x92: {  	_ =	strace s17  }
0x93: {  	s2 =	sld [smem:$0x3FFC];
	_ =	sdelay $0x3  }
0x94: {  	_ =	strace s2  }
0x95: {  	s2 =	sld [smem:$0x3FFD];
	_ =	sdelay $0x3  }
0x96: {  	_ =	strace s2  }
0x97: {  	_ =	strace $0x8FFFFFFF  }
0x98: {  	s18 =	sld [smem:$0x3FDB];
	_ =	sdelay $0x1  }
0x99: {  	s19 =	simm.s32 $_scs_section_size  }
0x9a: {  	s4 =	simm.s32 $_size__tile_overlayer_lowered;
	s5 =	simm.s32 $_tile_overlayer_lowered  }
0x9b: {  	s22 =	simm.s32 $0x1BFF;
	s21 =	sshll.u32 s5, $0x1;
	s2 =	sadd.s32 s19, s18  }
0x9c: {  	s6 =	simm.s32 $0x0;
	s20 =	sshll.u32 s4, $0x1;
	s4 =	sadd.s32 s21, s2  }
0x9d: {  	[timem:s6], [sflag:s22] =	dma.local [hbm:s4], s20  }
0x9e: {  	_ =	swait.ge [sflag:s22], s20  }
0x9f: {  	s3 =	ssub.s32 $0x0, s20;
	[sflag:s22] =	ssyncset.done $0x0  }
0xa0: {  	[sflag:s22] =	ssyncadd.s32 s3;
	_ =	sdelay $0x1  }
0xa1: {  	s23 =	simm.s32 $0x1B8B  }
0xa2: {  	_ =	swait.ge [sflag:s23], $0x1  }
0xa3: {  	[sflag:s23] =	ssyncset.done $0x0  }
0xa4: {  	s25 =	simm.s32 $0x1B8E;
	s24 =	sld [smem:$0x3FFE];
	[sflag:s23] =	ssyncadd.s32 $0xFFFFFFFF  }
0xa5: {  	s26 =	simm.s32 $execute0_lowered;
	[smem:$0x3FD2] =	sst s25  }
0xa6: {  	s4 =	sshll.u32 s26, $0x1;
	_ =	strace $0x8000004C;
	[dreg:$0x1] =	wrdreg $0xFFFFFFFF  }
0xa7: {  	s28 =	simm.s32 $_size_execute0_lowered;
	s2 =	sadd.s32 s2, s4;
	[dreg:$0x0] =	wrdreg $0x0  }
0xa8: {  	s4 =	sshll.u32 s28, $0x1;
	[dreg:$0x2] =	wrdreg s2  }
0xa9: {  	[dreg:$0x3] =	wrdreg s4  }
0xaa: {  	[dreg:$0x4] =	wrdreg $0xC0  }
0xab: {  	_ =	task [dreg:s6], $0x5FFFF  }
0xac: {  	[dreg:$0x1] =	wrdreg $0xFFFFFFFF  }
0xad: {  	[dreg:$0x0] =	wrdreg $0x60  }
0xae: {  	[dreg:$0x2] =	wrdreg s24  }
0xaf: {  	[dreg:$0x3] =	wrdreg $0x140000  }
0xb0: {  	[dreg:$0x4] =	wrdreg $0x9  }
0xb1: {  	_ =	task.clear_ibuf [dreg:s6], $0x5FFFF;
	_ =	strace $0x9000004C  }
0xb2: {  	s29 =	simm.s32 $0x9;
	_ =	strace $0x8000004E  }
0xb3: {  	_ =	swait.ge [sflag:s29], $0x1  }
0xb4: {  	[sflag:s29] =	ssyncadd.s32 $0xFFFFFFFF  }
0xb5: {  	_ =	strace $0x9000004E  }
0xb6: {  	_ =	sfence  }
0xb7: {  	s30 =	sld [smem:$0x0];
	_ =	sdelay $0x2  }
0xb8: {  	s31 =	sshll.u32 s1, $0xD;
	s1 =	sshrl.u32 s1, $0x2  }
0xb9: {  	s3 =	sand.u32 $0x4000, s31;
	s1 =	sadd.s32 s1, s30  }
0xba: {  	s0 =	sor.u32 s3, s0;
	s1 =	sshll.u32 s1, $0x11  }
0xbb: {  	s0 =	sor.u32 s1, s0  }
0xbc: {  	s0 =	sadd.s32 $0x8F2B, s0  }
0xbd: {  	[sflag:s0] =	ssyncadd.remote.s32 $0x1  }
0xbe: {  	_ =	sfence.sel $0xFFFF  }
0xbf: {  	[dreg:$0x0] =	wrdreg $0xFFFFFFFF;
	(pc) =	sbr.abs _section_cstart, $3  }
0xc0: {  	[dreg:$0x1] =	wrdreg $0xFFFFFFFF  }
0xc1: {  	_ =	task.clear_ibuf [dreg:s6], $0x2FFFF;
	_ =	strace $0x9FFFFFFF  }
0xc2: {  	(tm) =	ssettm $0x7FFFFFFF  }
0xc3: {  	_ =	shalt  }
tec
execute0_lowered:
.L_overlay_start_1:
0x0: {  	(tag) =	ssettag $0x1  }
0x1: {  	s0 =	rddreg [dreg:$0x0]  }
0x2: {  	s1 =	srdreg.scid;
	s2 =	rddreg [dreg:$0x1]  }
0x3: {  	s8 =	stileid.u32;
	s5 =	simm.s32 $0x0;
	s13 =	simm.s32 $0x9  }
0x4: {  	s14 =	simm.s32 $0x5000;
	s15 =	simm.s32 $0x12000;
	s16 =	simm.s32 $0x80  }
0x5: {  	s17 =	simm.s32 $0xA000;
	s18 =	simm.s32 $0xC000;
	s19 =	simm.s32 $0x1  }
0x6: {  	s21 =	simm.s32 $0xE000;
	s28 =	simm.s32 $0x10000;
	s4 =	smul.u32 $0xA00, s8  }
0x7: {  	s29 =	simm.s32 $0x3;
	s31 =	simm.s32 $0x5;
	s6 =	smul.u32 $0x27800, s8  }
0x8: {  	s30 =	simm.s32 $0x7;
	s1 =	sand.u32 $0x1, s1;
	s9 =	smul.u32 $0x9E00, s8  }
0x9: {  	s20 =	simm.s32 $0x0;
	[smem:$0x7FF] =	sst s5;
	s3 =	smul.u32 $0x13880, s1  }
0xa: {  	s22 =	smul.u32 $0x13C00, s1;
	_ =	strace $0x8000004D;
	s1 =	ssub.s32 $0x2, s1  }
0xb: {  	s4 =	sadd.s32 s4, s0;
	s7 =	sshrl.u32 s1, $0x1;
	s23 =	sshrl.u32 s6, $0x2  }
0xc: {  	s25 =	sshrl.u32 s9, $0x3;
	s26 =	sadd.s32 s9, s2;
	s3 =	sadd.s32 s3, s0  }
0xd: {  	s0 =	sadd.s32 s22, s0;
	s1 =	ssub.s32 s1, s7;
	s24 =	sadd.s32 $0xB600, s4  }
0xe: {  	s5 =	sadd.s32 s23, s2;
	s4 =	sadd.s32 $0x1600, s4;
	[dreg:$0x3] =	wrdreg s24  }
.Ltmp0:
0xf: {  	s22 =	simm.s32 $0x2;
	[dreg:$0x4] =	wrdreg s4;
	(pc) =	sbr.rel .LBB2_1-.Ltmp0, $4  }
0x10: {  	s7 =	sadd.s32 $0x8000, s5;
	s8 =	sadd.s32 $0x6E400, s3;
	s0 =	sadd.s32 $0x95600, s0  }
0x11: {  	s9 =	smax.u32 s1, $0x1;
	s10 =	sadd.s32 $0x2000, s5;
	s11 =	sadd.s32 $0x4000, s5  }
0x12: {  	s12 =	sadd.s32 $0x6000, s5;
	s1 =	simm.s32 $0x4;
	s24 =	simm.s32 $0x6  }
0x13: {  	v0 =	vimm.f32 $0.0e+00;
	s23 =	sadd.s32 s25, s0;
	s25 =	sshrl.u32 s26, $0x3;
	s0 =	simm.s32 $0x8  }
.LBB2_6:
0x14: {  	_ =	swait.ge [sflag:s1], $0x2000  }
0x15: {  	[sflag:s1] =	ssyncset.done $0x0  }
0x16: {  	[sflag:s1] =	ssyncadd.s32 $0xFFFFE000  }
0x17: {  	[spmem:s2] =	stream.indirect.scatter.add.f32 [tilespmem:s28], [sflag:$0x8], $0x40, s4, s16, $0xb8;
	[tilespmem:$0x1DE00] =	vst v63  }
0x18: {  	_ =	swait.ge [sflag:s24], $0x2000  }
0x19: {  	[sflag:s24] =	ssyncset.done $0x0  }
0x1a: {  	[sflag:s24] =	ssyncadd.s32 $0xFFFFE000  }
0x1b: {  	_ =	swait.ge [sflag:s30], $0x2000  }
0x1c: {  	[sflag:s30] =	ssyncset.done $0x0  }
0x1d: {  	[sflag:s30] =	ssyncadd.s32 $0xFFFFE000  }
0x1e: {  	_ =	swait.ge [sflag:s0], $0x2000  }
0x1f: {  	s3 =	stileid.u32;
	s20 =	sadd.s32 $0x1, s20;
	[sflag:s0] =	ssyncset.done $0x0  }
0x20: {  	s3 =	sshll.u32 s3, $0x6;
	p0 =	sne.s32 s20, s9;
	[sflag:s0] =	ssyncadd.s32 $0xFFFFE000  }
.Ltmp1:
0x21: {  	s3 =	sor.u32 $0x1C09, s3;
	[bflag:$0x0] =	sbarrier.arrive $0xFFFF;
	(pc) =	sbr.rel @!p0 .LBB2_7-.Ltmp1, $4  }
0x22: {  	[hbm:s23], [sflag:s3] =	dma.local [spmem:s25], $0x13C0  }
0x23: {  	_ =	swait.ge [sflag:s13], $0x13C0  }
0x24: {  	[sflag:s13] =	ssyncset.done $0x0  }
0x25: {  	[sflag:s13] =	ssyncadd.s32 $0xFFFFEC40  }
.LBB2_1:
0x26: {  	s3 =	simm.s32 $0x0;
	s4 =	rddreg [dreg:$0x3]  }
0x27: {  	[tilespmem:s3], [sflag:$0x9] =	stream.linear.gather [hbm4b:s4+s3], $0x5000, $0x38;
	[tilespmem:$0x1DE00] =	vst v63  }
0x28: {  	_ =	swait.ge [sflag:s13], $0x5000  }
0x29: {  	[sflag:s13] =	ssyncset.done $0x0  }
0x2a: {  	s26 =	rddreg [dreg:$0x4];
	[sflag:s13] =	ssyncadd.s32 $0xFFFFB000  }
0x2b: {  	[tilespmem:s14], [sflag:$0x9] =	stream.linear.gather [hbm4b:s26+s3], $0x5000, $0x38;
	[tilespmem:$0x1DE00] =	vst v63  }
0x2c: {  	_ =	swait.ge [sflag:s13], $0x5000  }
0x2d: {  	[sflag:s13] =	ssyncset.done $0x0  }
0x2e: {  	s26 =	simm.s32 $0x100;
	s3 =	simm.s32 $0x0;
	[sflag:s13] =	ssyncadd.s32 $0xFFFFB000  }
.LBB2_2:
0x2f: {  	p0 =	sne.s32 s26, $0x7F00;
	[tilespmem:s3+$0x12030] =	vst v0;
	s4 =	smov.u32 s26;
	s26 =	sadd.s32 $0x100, s26  }
.Ltmp2:
0x30: {  	[tilespmem:s3+$0x12020] =	vst v0;
	(pc) =	sbr.rel @p0 .LBB2_2-.Ltmp2, $3  }
0x31: {  	[tilespmem:s3+$0x12000] =	vst v0  }
0x32: {  	[tilespmem:s3+$0x12010] =	vst v0;
	_ =	sdelay $0x1  }
0x33: {  	s3 =	sshra.s32 s4, $0x2  }
0x34: {  	[tilespmem:s3+$0x12030] =	vst v0  }
0x35: {  	[tilespmem:s3+$0x12020] =	vst v0  }
0x36: {  	[tilespmem:s3+$0x12000] =	vst v0  }
0x37: {  	[tilespmem:s3+$0x12010] =	vst v0  }
0x38: {  	[spmem:s5] =	stream.linear.scatter [tilespmem:s15], [sflag:$0x9], $0x2000, $0x38;
	[tilespmem:$0x1DE00] =	vst v63  }
0x39: {  	_ =	swait.ge [sflag:s13], $0x2000  }
0x3a: {  	[sflag:s13] =	ssyncset.done $0x0  }
0x3b: {  	[sflag:s13] =	ssyncadd.s32 $0xFFFFE000  }
0x3c: {  	[spmem:s10] =	stream.linear.scatter [tilespmem:s15], [sflag:$0x9], $0x2000, $0x38;
	[tilespmem:$0x1DE00] =	vst v63  }
0x3d: {  	_ =	swait.ge [sflag:s13], $0x2000  }
0x3e: {  	[sflag:s13] =	ssyncset.done $0x0  }
0x3f: {  	[sflag:s13] =	ssyncadd.s32 $0xFFFFE000  }
0x40: {  	[spmem:s11] =	stream.linear.scatter [tilespmem:s15], [sflag:$0x9], $0x2000, $0x38;
	[tilespmem:$0x1DE00] =	vst v63  }
0x41: {  	_ =	swait.ge [sflag:s13], $0x2000  }
0x42: {  	[sflag:s13] =	ssyncset.done $0x0  }
0x43: {  	[sflag:s13] =	ssyncadd.s32 $0xFFFFE000  }
0x44: {  	[spmem:s12] =	stream.linear.scatter [tilespmem:s15], [sflag:$0x9], $0x2000, $0x38;
	[tilespmem:$0x1DE00] =	vst v63  }
0x45: {  	_ =	swait.ge [sflag:s13], $0x2000  }
0x46: {  	[sflag:s13] =	ssyncset.done $0x0  }
0x47: {  	[sflag:s13] =	ssyncadd.s32 $0xFFFFE000  }
0x48: {  	[spmem:s7] =	stream.linear.scatter [tilespmem:s15], [sflag:$0x9], $0x1E00, $0x38;
	[tilespmem:$0x1DE00] =	vst v63  }
0x49: {  	_ =	swait.ge [sflag:s13], $0x1E00  }
0x4a: {  	[sflag:s13] =	ssyncset.done $0x0  }
0x4b: {  	[sflag:s13] =	ssyncadd.s32 $0xFFFFE200  }
0x4c: {  	s26 =	simm.s32 $0x0;
	[bflag:$0x0] =	sbarrier.arrive $0xFFFF  }
0x4d: {  	[tilespmem:s17], [sflag:$0x1] =	stream.indirect.gather [hbm4b:s8+s16], $0x40, s26, s16, $0xb8;
	[tilespmem:$0x1DE00] =	vst v63  }
0x4e: {  	_ = 	snop  }
0x4f: {  	[tilespmem:s18], [sflag:$0x2] =	stream.indirect.gather [hbm4b:s8+s16], $0x40, s16, s16, $0xb8;
	[tilespmem:$0x1DE00] =	vst v63  }
0x50: {  	_ =	swait.ge [sflag:s19], $0x2000  }
0x51: {  	[sflag:s19] =	ssyncset.done $0x0  }
0x52: {  	[sflag:s19] =	ssyncadd.s32 $0xFFFFE000  }
0x53: {  	[spmem:s2] =	stream.indirect.scatter.add.f32 [tilespmem:s17], [sflag:$0x5], $0x40, s14, s16, $0xb8;
	[tilespmem:$0x1DE00] =	vst v63  }
0x54: {  	s6 =	simm.s32 $0x100  }
0x55: {  	[tilespmem:s21], [sflag:$0x3] =	stream.indirect.gather [hbm4b:s8+s16], $0x40, s6, s16, $0xb8;
	[tilespmem:$0x1DE00] =	vst v63  }
0x56: {  	_ =	swait.ge [sflag:s22], $0x2000  }
0x57: {  	[sflag:s22] =	ssyncset.done $0x0  }
0x58: {  	s4 =	simm.s32 $0x5080;
	[sflag:s22] =	ssyncadd.s32 $0xFFFFE000  }
0x59: {  	[spmem:s2] =	stream.indirect.scatter.add.f32 [tilespmem:s18], [sflag:$0x6], $0x40, s4, s16, $0xb8;
	[tilespmem:$0x1DE00] =	vst v63  }
0x5a: {  	s6 =	simm.s32 $0x180  }
0x5b: {  	[tilespmem:s28], [sflag:$0x4] =	stream.indirect.gather [hbm4b:s8+s16], $0x40, s6, s16, $0xb8;
	[tilespmem:$0x1DE00] =	vst v63  }
0x5c: {  	_ =	swait.ge [sflag:s29], $0x2000  }
0x5d: {  	[sflag:s29] =	ssyncset.done $0x0  }
0x5e: {  	s4 =	simm.s32 $0x5100;
	[sflag:s29] =	ssyncadd.s32 $0xFFFFE000  }
0x5f: {  	[spmem:s2] =	stream.indirect.scatter.add.f32 [tilespmem:s21], [sflag:$0x7], $0x40, s4, s16, $0xb8;
	[tilespmem:$0x1DE00] =	vst v63  }
0x60: {  	_ =	swait.ge [sflag:s31], $0x2000  }
0x61: {  	[sflag:s31] =	ssyncset.done $0x0  }
0x62: {  	s6 =	simm.s32 $0x200;
	[sflag:s31] =	ssyncadd.s32 $0xFFFFE000  }
0x63: {  	[tilespmem:s17], [sflag:$0x1] =	stream.indirect.gather [hbm4b:s8+s16], $0x40, s6, s16, $0xb8;
	[tilespmem:$0x1DE00] =	vst v63  }
0x64: {  	_ =	swait.ge [sflag:s1], $0x2000  }
0x65: {  	[sflag:s1] =	ssyncset.done $0x0  }
0x66: {  	s4 =	simm.s32 $0x5180;
	[sflag:s1] =	ssyncadd.s32 $0xFFFFE000  }
0x67: {  	[spmem:s2] =	stream.indirect.scatter.add.f32 [tilespmem:s28], [sflag:$0x8], $0x40, s4, s16, $0xb8;
	[tilespmem:$0x1DE00] =	vst v63  }
0x68: {  	_ =	swait.ge [sflag:s24], $0x2000  }
0x69: {  	[sflag:s24] =	ssyncset.done $0x0  }
0x6a: {  	s6 =	simm.s32 $0x280;
	[sflag:s24] =	ssyncadd.s32 $0xFFFFE000  }
0x6b: {  	[tilespmem:s18], [sflag:$0x2] =	stream.indirect.gather [hbm4b:s8+s16], $0x40, s6, s16, $0xb8;
	[tilespmem:$0x1DE00] =	vst v63  }
.LBB2_4:
0x6c: {  	_ =	swait.ge [sflag:s19], $0x2000  }
0x6d: {  	s3 =	sshra.s32 s26, $0x2;
	[sflag:s19] =	ssyncset.done $0x0  }
0x6e: {  	s4 =	sadd.s32 $0x5200, s3;
	[sflag:s19] =	ssyncadd.s32 $0xFFFFE000  }
0x6f: {  	[spmem:s2] =	stream.indirect.scatter.add.f32 [tilespmem:s17], [sflag:$0x5], $0x40, s4, s16, $0xb8;
	[tilespmem:$0x1DE00] =	vst v63  }
0x70: {  	_ =	swait.ge [sflag:s30], $0x2000  }
0x71: {  	[sflag:s30] =	ssyncset.done $0x0  }
0x72: {  	s6 =	sadd.s32 $0x300, s3;
	[sflag:s30] =	ssyncadd.s32 $0xFFFFE000  }
0x73: {  	[tilespmem:s21], [sflag:$0x3] =	stream.indirect.gather [hbm4b:s8+s16], $0x40, s6, s16, $0xb8;
	[tilespmem:$0x1DE00] =	vst v63  }
0x74: {  	_ =	swait.ge [sflag:s22], $0x2000  }
0x75: {  	[sflag:s22] =	ssyncset.done $0x0  }
0x76: {  	s6 =	sadd.s32 $0x5280, s3;
	[sflag:s22] =	ssyncadd.s32 $0xFFFFE000  }
0x77: {  	[spmem:s2] =	stream.indirect.scatter.add.f32 [tilespmem:s18], [sflag:$0x6], $0x40, s6, s16, $0xb8;
	[tilespmem:$0x1DE00] =	vst v63  }
0x78: {  	_ =	swait.ge [sflag:s0], $0x2000  }
0x79: {  	[sflag:s0] =	ssyncset.done $0x0  }
0x7a: {  	s6 =	sadd.s32 $0x380, s3;
	[sflag:s0] =	ssyncadd.s32 $0xFFFFE000  }
0x7b: {  	[tilespmem:s28], [sflag:$0x4] =	stream.indirect.gather [hbm4b:s8+s16], $0x40, s6, s16, $0xb8;
	[tilespmem:$0x1DE00] =	vst v63  }
0x7c: {  	_ =	swait.ge [sflag:s29], $0x2000  }
0x7d: {  	p0 =	seq.s32 s26, $0x13000;
	[sflag:s29] =	ssyncset.done $0x0  }
.Ltmp3:
0x7e: {  	s6 =	sadd.s32 $0x5300, s3;
	[sflag:s29] =	ssyncadd.s32 $0xFFFFE000;
	(pc) =	sbr.rel @p0 .LBB2_6-.Ltmp3, $4  }
0x7f: {  	[spmem:s2] =	stream.indirect.scatter.add.f32 [tilespmem:s21], [sflag:$0x7], $0x40, s6, s16, $0xb8;
	[tilespmem:$0x1DE00] =	vst v63  }
0x80: {  	_ =	swait.ge [sflag:s31], $0x2000  }
0x81: {  	[sflag:s31] =	ssyncset.done $0x0  }
0x82: {  	s4 =	sadd.s32 $0x5380, s3;
	[sflag:s31] =	ssyncadd.s32 $0xFFFFE000  }
0x83: {  	s6 =	sadd.s32 $0x400, s3  }
0x84: {  	[tilespmem:s17], [sflag:$0x1] =	stream.indirect.gather [hbm4b:s8+s16], $0x40, s6, s16, $0xb8;
	[tilespmem:$0x1DE00] =	vst v63  }
0x85: {  	_ =	swait.ge [sflag:s1], $0x2000  }
0x86: {  	[sflag:s1] =	ssyncset.done $0x0  }
0x87: {  	[sflag:s1] =	ssyncadd.s32 $0xFFFFE000  }
0x88: {  	[spmem:s2] =	stream.indirect.scatter.add.f32 [tilespmem:s28], [sflag:$0x8], $0x40, s4, s16, $0xb8;
	[tilespmem:$0x1DE00] =	vst v63  }
.Ltmp4:
0x89: {  	_ = 	snop;
	(pc) =	sbr.rel .LBB2_4-.Ltmp4, $4  }
0x8a: {  	_ =	swait.ge [sflag:s24], $0x2000  }
0x8b: {  	[sflag:s24] =	ssyncset.done $0x0  }
0x8c: {  	s26 =	sadd.s32 $0x800, s26;
	s6 =	sadd.s32 $0x480, s3;
	[sflag:s24] =	ssyncadd.s32 $0xFFFFE000  }
0x8d: {  	[tilespmem:s18], [sflag:$0x2] =	stream.indirect.gather [hbm4b:s8+s16], $0x40, s6, s16, $0xb8;
	[tilespmem:$0x1DE00] =	vst v63  }
.LBB2_7:
0x8e: {  	_ =	sfence.sel $0x180000  }
0x8f: {  	[bflag:$0x0] =	sbarrier.arrive $0xFFFF  }
0x90: {  	_ =	strace $0x9000004D  }
0x91: {  	s0 =	stileid.u32;
	[bflag:$0x2] =	sbarrier.arrive $0xFFFF  }
0x92: {  	p0 =	sne.s32 s0, $0x0;
	s0 =	rddreg [dreg:$0x2]  }
0x93: {  	s0 =	sadd.s32 @!p0 $0x100000, s0  }
0x94: {  	[sflag:s0] =	ssyncadd.tile.s32 @!p0 $0x1;
	_ =	shalt  }
.Lfunc_end2:
_tile_overlayer_lowered:
.L_overlay_start_2:
0x95: {  	(tag) =	ssettag $0x2  }
0x96: {  	s0 =	rddreg [dreg:$0x0];
	s2 =	stileid.u32  }
0x97: {  	s1 =	rddreg [dreg:$0x1];
	p0 =	sne.s32 s2, $0x0  }
0x98: {  	s3 =	rddreg [dreg:$0x2];
	[bflag:$0x3] =	sbarrier.arrive $0xFFFF;
	s2 =	simm.s32 @!p0 $0x1C09  }
0x99: {  	[timem:s3], [sflag:s2] =	dma.local @!p0 [hbm:s0], s1  }
0x9a: {  	s0 =	simm.s32 @!p0 $0x9  }
0x9b: {  	_ =	swait.ge @!p0 [sflag:s0], s1  }
0x9c: {  	s1 =	ssub.s32 @!p0 $0x0, s1;
	[sflag:s0] =	ssyncset.done @!p0 $0x0  }
0x9d: {  	[sflag:s0] =	ssyncadd.s32 @!p0 s1  }
0x9e: {  	[bflag:$0x3] =	sbarrier.arrive $0xFFFF  }
0x9f: {  	_ =	shalt  }

// kernel: kernel.8.cloned.1.call-start
scs
__scs_entry_jumppad:
0x0: {  	(pc) =	sbr.rel $0x88, $3  }
0x1: {  	(tag) =	ssettag $0x0;
	lr =	simm.s32 $0x1  }
0x2: {  	[smem:$0x3F98] =	sst lr;
	_ =	strace $0xD0000000  }
0x3: {  	_ = 	snop  }
0x4: {  	_ = 	snop  }
0x5: {  	_ = 	snop  }
0x6: {  	_ = 	snop  }
0x7: {  	_ = 	snop  }
__scs_overlays_trampoline_lowered:
0x8: {  	[smem:$0x3FA7] =	sst s0  }
0x9: {  	[smem:$0x3FA8] =	sst s1  }
0xa: {  	[smem:$0x3FA9] =	sst s2  }
0xb: {  	[smem:$0x3FAA] =	sst s3  }
0xc: {  	[smem:$0x3FAB] =	sst s4  }
0xd: {  	[smem:$0x3FAC] =	sst s5  }
0xe: {  	[smem:$0x3FAD] =	sst s6  }
0xf: {  	[smem:$0x3FAE] =	sst s7  }
0x10: {  	[smem:$0x3FAF] =	sst s8  }
0x11: {  	[smem:$0x3FB0] =	sst s9;
	s0 =	simm.s32 @!p0 $0x0  }
0x12: {  	s1 =	sld [smem:$0x3F96];
	s0 =	simm.s32 @p0 $0x1  }
0x13: {  	[smem:$0x3FB1] =	sst s0;
	s0 =	simm.s32 @!p1 $0x0  }
0x14: {  	s2 =	sld [smem:$0x3F95];
	s0 =	simm.s32 @p1 $0x1  }
0x15: {  	[smem:$0x3FB2] =	sst s0;
	s0 =	simm.s32 @!p2 $0x0  }
0x16: {  	s3 =	sld [smem:$0x3FDB];
	s0 =	simm.s32 @p2 $0x1  }
0x17: {  	s4 =	simm.s32 $0x1BF5;
	[smem:$0x3FB4] =	sst s0  }
0x18: {  	s0 =	sld [smem:$0x3F97];
	_ =	swait.ge [sflag:s4], $0x0  }
0x19: {  	s7 =	sld [smem:$0x3F98]  }
0x1a: {  	s8 =	sadd.s32 $0xFFFFE003, lr  }
0x1b: {  	s9 =	sadd.s32 $0xFFFFFEF7, lr;
	s5 =	simm.s32 $0xFFFFFFFF;
	p2 =	slt.u32 s8, $0xFFFFF086  }
0x1c: {  	p1 =	slt.u32 s9, $0xF7A;
	s5 =	simm.s32 @!p2 $0x0  }
0x1d: {  	s5 =	simm.s32 @p1 $0x1;
	p0 =	seq.s32 s7, s2  }
0x1e: {  	s7 =	smul.u32 @!p0 $0xF7A, s2;
	p2 =	seq.s32 @!p0 s5, $0x0  }
0x1f: {  	s9 =	smul.u32 $0xF7A, s1;
	s8 =	simm.s32 @!p0 $0x1BF5;
	p2 =	por !p2, p0  }
0x20: {  	[sflag:s8] =	ssyncset.s32 @!p0 $0xFFFFF086;
	s6 =	sadd.s32 @!p0 s3, s7;
	s7 =	simm.s32 @!p0 $0x108  }
0x21: {  	s3 =	sadd.s32 s3, s9;
	s6 =	sadd.s32 @!p0 $0x88, s6;
	s7 =	simm.s32 @p2 $0x1082  }
0x22: {  	[simem:s7], [sflag:s8] =	dma.local @!p0 [hbm:s6], $0xF7A  }
0x23: {  	s9 =	sor.u32 $0xD0000000, s2;
	s6 =	simm.s32 $0x108;
	_ =	swait.ge @!p0 [sflag:s8], $0x0  }
0x24: {  	s3 =	sadd.s32 $0x88, s3;
	s6 =	simm.s32 @!p1 $0x1082;
	[sflag:s4] =	ssyncset.s32 $0xFFFFF086  }
0x25: {  	[simem:s6], [sflag:s4] =	dma.local [hbm:s3], $0xF7A  }
0x26: {  	[smem:$0x3F98] =	sst s1;
	(tag) =	ssettag s2;
	_ =	strace s9  }
0x27: {  	s1 =	sld [smem:$0x3FA8]  }
0x28: {  	s2 =	sld [smem:$0x3FA9]  }
0x29: {  	s4 =	sld [smem:$0x3FAB]  }
0x2a: {  	p0 =	seq.s32 s5, $0x0;
	s5 =	sld [smem:$0x3FAC]  }
0x2b: {  	s6 =	sld [smem:$0x3FAD]  }
0x2c: {  	s7 =	sld [smem:$0x3FAE]  }
0x2d: {  	s3 =	simm.s32 $0x108;
	s8 =	sld [smem:$0x3FAF]  }
0x2e: {  	s3 =	simm.s32 @!p0 $0x1082;
	s9 =	sld [smem:$0x3FB0]  }
0x2f: {  	lr =	sadd.s32 s0, s3;
	s0 =	sld [smem:$0x3FA7]  }
0x30: {  	s3 =	sld [smem:$0x3FAA]  }
0x31: {  	[smem:$0x3FB3] =	sst s10  }
0x32: {  	s10 =	sld [smem:$0x3FB1];
	_ =	sdelay $0x3  }
0x33: {  	p0 =	seq.s32 s10, $0x1;
	s10 =	sld [smem:$0x3FB3];
	_ =	sdelay $0x3  }
0x34: {  	[smem:$0x3FB3] =	sst s10  }
0x35: {  	s10 =	sld [smem:$0x3FB2];
	_ =	sdelay $0x3  }
0x36: {  	p1 =	seq.s32 s10, $0x1;
	s10 =	sld [smem:$0x3FB3];
	_ =	sdelay $0x3  }
0x37: {  	[smem:$0x3FB3] =	sst s10  }
0x38: {  	s10 =	sld [smem:$0x3FB4]  }
0x39: {  	_ = 	snop;
	(pc) =	sbr.ind lr, $3  }
0x3a: {  	_ = 	snop  }
0x3b: {  	_ = 	snop  }
0x3c: {  	p2 =	seq.s32 s10, $0x1;
	s10 =	sld [smem:$0x3FB3]  }
0x3d: {  	_ =	shalt  }
0x3e: {  	_ =	shalt  }
0x3f: {  	_ =	shalt  }
0x40: {  	_ =	shalt  }
0x41: {  	_ =	shalt  }
0x42: {  	_ =	shalt  }
0x43: {  	_ =	shalt  }
0x44: {  	_ =	shalt  }
0x45: {  	_ =	shalt  }
0x46: {  	_ =	shalt  }
0x47: {  	_ =	shalt  }
0x48: {  	_ =	shalt  }
0x49: {  	_ =	shalt  }
0x4a: {  	_ =	shalt  }
0x4b: {  	_ =	shalt  }
0x4c: {  	_ =	shalt  }
0x4d: {  	_ =	shalt  }
0x4e: {  	_ =	shalt  }
0x4f: {  	_ =	shalt  }
0x50: {  	_ =	shalt  }
0x51: {  	_ =	shalt  }
0x52: {  	_ =	shalt  }
0x53: {  	_ =	shalt  }
0x54: {  	_ =	shalt  }
0x55: {  	_ =	shalt  }
0x56: {  	_ =	shalt  }
0x57: {  	_ =	shalt  }
0x58: {  	_ =	shalt  }
0x59: {  	_ =	shalt  }
0x5a: {  	_ =	shalt  }
0x5b: {  	_ =	shalt  }
0x5c: {  	_ =	shalt  }
0x5d: {  	_ =	shalt  }
0x5e: {  	_ =	shalt  }
0x5f: {  	_ =	shalt  }
0x60: {  	_ =	shalt  }
0x61: {  	_ =	shalt  }
0x62: {  	_ =	shalt  }
0x63: {  	_ =	shalt  }
0x64: {  	_ =	shalt  }
0x65: {  	_ =	shalt  }
0x66: {  	_ =	shalt  }
0x67: {  	_ =	shalt  }
0x68: {  	_ =	shalt  }
0x69: {  	_ =	shalt  }
0x6a: {  	_ =	shalt  }
0x6b: {  	_ =	shalt  }
0x6c: {  	_ =	shalt  }
0x6d: {  	_ =	shalt  }
0x6e: {  	_ =	shalt  }
0x6f: {  	_ =	shalt  }
0x70: {  	_ =	shalt  }
0x71: {  	_ =	shalt  }
0x72: {  	_ =	shalt  }
0x73: {  	_ =	shalt  }
0x74: {  	_ =	shalt  }
0x75: {  	_ =	shalt  }
0x76: {  	_ =	shalt  }
0x77: {  	_ =	shalt  }
0x78: {  	_ =	shalt  }
0x79: {  	_ =	shalt  }
0x7a: {  	_ =	shalt  }
0x7b: {  	_ =	shalt  }
0x7c: {  	_ =	shalt  }
0x7d: {  	_ =	shalt  }
0x7e: {  	_ =	shalt  }
0x7f: {  	_ =	shalt  }
0x80: {  	_ =	shalt  }
0x81: {  	_ =	shalt  }
0x82: {  	_ =	shalt  }
0x83: {  	_ =	shalt  }
0x84: {  	_ =	shalt  }
0x85: {  	_ =	shalt  }
0x86: {  	_ =	shalt  }
0x87: {  	_ =	shalt  }
.Lfunc_end0:
.L_simem_size_0:
called_computation_lowered:
.L_overlay_start_0:
0x88: {  	s2 =	sld [smem:$0x3FD9]  }
0x89: {  	s3 =	sld [smem:$0x3FFE];
	_ =	sdelay $0x1  }
0x8a: {  	s1 =	srdreg.scid  }
0x8b: {  	s0 =	sand.u32 $0x1, s1  }
0x8c: {  	s16 =	sshll.u32 s0, $0xA;
	s2 =	sadd.s32 s3, s2  }
0x8d: {  	s2 =	sadd.s32 s2, s16  }
0x8e: {  	[smem:$0x3FBF] =	sst s2  }
0x8f: {  	_ = 	snop  }
0x90: {  	(tm) =	ssettm $0x1  }
0x91: {  	s17 =	sld [smem:$0x3FFB];
	_ =	sdelay $0x3  }
0x92: {  	_ =	strace s17  }
0x93: {  	s2 =	sld [smem:$0x3FFC];
	_ =	sdelay $0x3  }
0x94: {  	_ =	strace s2  }
0x95: {  	s2 =	sld [smem:$0x3FFD];
	_ =	sdelay $0x3  }
0x96: {  	_ =	strace s2  }
0x97: {  	_ =	strace $0x8FFFFFFF  }
0x98: {  	s18 =	sld [smem:$0x3FDB];
	_ =	sdelay $0x1  }
0x99: {  	s19 =	simm.s32 $_scs_section_size  }
0x9a: {  	s4 =	simm.s32 $_size__tile_overlayer_lowered;
	s5 =	simm.s32 $_tile_overlayer_lowered  }
0x9b: {  	s22 =	simm.s32 $0x1BFF;
	s21 =	sshll.u32 s5, $0x1;
	s2 =	sadd.s32 s19, s18  }
0x9c: {  	s6 =	simm.s32 $0x0;
	s20 =	sshll.u32 s4, $0x1;
	s4 =	sadd.s32 s21, s2  }
0x9d: {  	[timem:s6], [sflag:s22] =	dma.local [hbm:s4], s20  }
0x9e: {  	_ =	swait.ge [sflag:s22], s20  }
0x9f: {  	s3 =	ssub.s32 $0x0, s20;
	[sflag:s22] =	ssyncset.done $0x0  }
0xa0: {  	[sflag:s22] =	ssyncadd.s32 s3;
	_ =	sdelay $0x1  }
0xa1: {  	s23 =	simm.s32 $0x1B8B  }
0xa2: {  	_ =	swait.ge [sflag:s23], $0x1  }
0xa3: {  	[sflag:s23] =	ssyncset.done $0x0  }
0xa4: {  	s25 =	simm.s32 $0x1B8E;
	s24 =	sld [smem:$0x3FFE];
	[sflag:s23] =	ssyncadd.s32 $0xFFFFFFFF  }
0xa5: {  	s26 =	simm.s32 $execute0_lowered;
	[smem:$0x3FD2] =	sst s25  }
0xa6: {  	s4 =	sshll.u32 s26, $0x1;
	_ =	strace $0x80000046;
	[dreg:$0x1] =	wrdreg $0xFFFFFFFF  }
0xa7: {  	s28 =	simm.s32 $_size_execute0_lowered;
	s2 =	sadd.s32 s2, s4;
	[dreg:$0x0] =	wrdreg $0x0  }
0xa8: {  	s4 =	sshll.u32 s28, $0x1;
	[dreg:$0x2] =	wrdreg s2  }
0xa9: {  	[dreg:$0x3] =	wrdreg s4  }
0xaa: {  	[dreg:$0x4] =	wrdreg $0xC0  }
0xab: {  	_ =	task [dreg:s6], $0x5FFFF  }
0xac: {  	[dreg:$0x1] =	wrdreg $0xFFFFFFFF  }
0xad: {  	[dreg:$0x0] =	wrdreg $0x60  }
0xae: {  	[dreg:$0x2] =	wrdreg s24  }
0xaf: {  	[dreg:$0x3] =	wrdreg $0x38000  }
0xb0: {  	[dreg:$0x4] =	wrdreg $0x9  }
0xb1: {  	_ =	task.clear_ibuf [dreg:s6], $0x5FFFF;
	_ =	strace $0x90000046  }
0xb2: {  	s29 =	simm.s32 $0x9;
	_ =	strace $0x80000048  }
0xb3: {  	_ =	swait.ge [sflag:s29], $0x1  }
0xb4: {  	[sflag:s29] =	ssyncadd.s32 $0xFFFFFFFF  }
0xb5: {  	_ =	strace $0x90000048  }
0xb6: {  	_ =	sfence  }
0xb7: {  	s30 =	sld [smem:$0x0];
	_ =	sdelay $0x2  }
0xb8: {  	s31 =	sshll.u32 s1, $0xD;
	s1 =	sshrl.u32 s1, $0x2  }
0xb9: {  	s3 =	sand.u32 $0x4000, s31;
	s1 =	sadd.s32 s1, s30  }
0xba: {  	s0 =	sor.u32 s3, s0;
	s1 =	sshll.u32 s1, $0x11  }
0xbb: {  	s0 =	sor.u32 s1, s0  }
0xbc: {  	s0 =	sadd.s32 $0x8F2B, s0  }
0xbd: {  	[sflag:s0] =	ssyncadd.remote.s32 $0x1  }
0xbe: {  	_ =	sfence.sel $0xFFFF  }
0xbf: {  	[dreg:$0x0] =	wrdreg $0xFFFFFFFF;
	(pc) =	sbr.abs _section_cstart, $3  }
0xc0: {  	[dreg:$0x1] =	wrdreg $0xFFFFFFFF  }
0xc1: {  	_ =	task.clear_ibuf [dreg:s6], $0x2FFFF;
	_ =	strace $0x9FFFFFFF  }
0xc2: {  	(tm) =	ssettm $0x7FFFFFFF  }
0xc3: {  	_ =	shalt  }
tec
execute0_lowered:
.L_overlay_start_1:
0x0: {  	(tag) =	ssettag $0x1  }
0x1: {  	s5 =	rddreg [dreg:$0x0]  }
0x2: {  	s0 =	srdreg.scid;
	s2 =	rddreg [dreg:$0x1];
	s3 =	simm.s32 $0x0  }
0x3: {  	s11 =	simm.s32 $0x3000;
	s12 =	simm.s32 $0x2;
	s4 =	sand.u32 $0x1, s0  }
0x4: {  	s13 =	simm.s32 $0x80;
	s0 =	stileid.u32;
	s7 =	smul.u32 $0x4F00, s4  }
0x5: {  	s14 =	simm.s32 $0x2800;
	[smem:$0x7FF] =	sst s3;
	s8 =	smul.u32 $0x9E00, s0  }
0x6: {  	s1 =	sshll.u32 s4, $0x4;
	s4 =	ssub.s32 $0x2, s4;
	s31 =	smul.u32 $0x2780, s0  }
0x7: {  	s17 =	sshll.u32 s0, $0x6;
	s1 =	sor.u32 s0, s1;
	s30 =	sshrl.u32 s4, $0x1  }
0x8: {  	s17 =	sor.u32 $0x1C02, s17;
	s6 =	smul.u32 $0x500, s1;
	s1 =	rddreg [dreg:$0x2]  }
0x9: {  	_ =	strace $0x80000047;
	s7 =	sadd.s32 s7, s5;
	s8 =	sshrl.u32 s8, $0x2  }
0xa: {  	s9 =	ssub.s32 s4, s30;
	s16 =	sshrl.u32 s31, $0x3;
	s18 =	sadd.s32 s31, s2  }
0xb: {  	s4 =	sadd.s32 s8, s2;
	s15 =	sadd.s32 $0x15600, s7;
	s7 =	smax.u32 s9, $0x1  }
0xc: {  	s18 =	sshrl.u32 s18, $0x3;
	s6 =	sadd.s32 s6, s5;
	s5 =	sadd.s32 $0x2000, s4  }
0xd: {  	s8 =	sadd.s32 $0x800, s4;
	s9 =	sadd.s32 $0x1000, s4;
	s10 =	sadd.s32 $0x1800, s4  }
0xe: {  	v0 =	vimm.f32 $1.000000000e+00;
	v1 =	vimm.f32 $0.0e+00;
	s15 =	sadd.s32 s16, s15;
	s16 =	simm.s32 $0x1;
	s6 =	sadd.s32 $0x1600, s6  }
.LBB2_1:
0xf: {  	s19 =	simm.s32 $0x40;
	s20 =	simm.s32 $0x0  }
.LBB2_2:
0x10: {  	p0 =	sne.s32 s19, $0x1FC0;
	[tilespmem:s20+$0x2800] =	vst v0;
	s21 =	smov.u32 s19;
	s19 =	sadd.s32 $0x40, s19  }
.Ltmp0:
0x11: {  	[tilespmem:s20+$0x3000] =	vst v1;
	(pc) =	sbr.rel @p0 .LBB2_2-.Ltmp0, $2  }
0x12: {  	_ =	sdelay $0x2  }
0x13: {  	s20 =	sshra.s32 s21, $0x2  }
0x14: {  	[tilespmem:s20+$0x2800] =	vst v0  }
0x15: {  	[tilespmem:s20+$0x3000] =	vst v1  }
0x16: {  	[spmem:s4] =	stream.linear.scatter [tilespmem:s11], [sflag:$0x2], $0x800, $0x38;
	[tilespmem:$0x5F80] =	vst v63  }
0x17: {  	_ =	swait.ge [sflag:s12], $0x800  }
0x18: {  	[sflag:s12] =	ssyncset.done $0x0  }
0x19: {  	[sflag:s12] =	ssyncadd.s32 $0xFFFFF800  }
0x1a: {  	[spmem:s8] =	stream.linear.scatter [tilespmem:s11], [sflag:$0x2], $0x800, $0x38;
	[tilespmem:$0x5F80] =	vst v63  }
0x1b: {  	_ =	swait.ge [sflag:s12], $0x800  }
0x1c: {  	[sflag:s12] =	ssyncset.done $0x0  }
0x1d: {  	[sflag:s12] =	ssyncadd.s32 $0xFFFFF800  }
0x1e: {  	[spmem:s9] =	stream.linear.scatter [tilespmem:s11], [sflag:$0x2], $0x800, $0x38;
	[tilespmem:$0x5F80] =	vst v63  }
0x1f: {  	_ =	swait.ge [sflag:s12], $0x800  }
0x20: {  	[sflag:s12] =	ssyncset.done $0x0  }
0x21: {  	[sflag:s12] =	ssyncadd.s32 $0xFFFFF800  }
0x22: {  	[spmem:s10] =	stream.linear.scatter [tilespmem:s11], [sflag:$0x2], $0x800, $0x38;
	[tilespmem:$0x5F80] =	vst v63  }
0x23: {  	_ =	swait.ge [sflag:s12], $0x800  }
0x24: {  	[sflag:s12] =	ssyncset.done $0x0  }
0x25: {  	[sflag:s12] =	ssyncadd.s32 $0xFFFFF800  }
0x26: {  	[spmem:s5] =	stream.linear.scatter [tilespmem:s11], [sflag:$0x2], $0x780, $0x38;
	[tilespmem:$0x5F80] =	vst v63  }
0x27: {  	_ =	swait.ge [sflag:s12], $0x780  }
0x28: {  	[sflag:s12] =	ssyncset.done $0x0  }
0x29: {  	[sflag:s12] =	ssyncadd.s32 $0xFFFFF880  }
0x2a: {  	s19 =	simm.s32 $0x0;
	[bflag:$0x0] =	sbarrier.arrive $0xFFFF  }
0x2b: {  	[tilespmem:s19], [sflag:$0x2] =	stream.linear.gather [hbm4b:s6+s19], $0x2800, $0x38;
	[tilespmem:$0x5F80] =	vst v63  }
0x2c: {  	_ =	swait.ge [sflag:s12], $0x2800  }
0x2d: {  	[sflag:s12] =	ssyncset.done $0x0  }
0x2e: {  	[sflag:s12] =	ssyncadd.s32 $0xFFFFD800  }
.LBB2_4:
0x2f: {  	p0 =	sne.s32 s19, $0x9E00  }
.Ltmp1:
0x30: {  	_ = 	snop;
	(pc) =	sbr.rel @p0 .LBB2_4-.Ltmp1, $3  }
0x31: {  	_ =	sdelay $0x1  }
0x32: {  	s20 =	sshra.s32 s19, $0x2;
	s19 =	sadd.s32 $0x200, s19  }
0x33: {  	[spmem:s2] =	stream.indirect.scatter.add.f32 [tilespmem:s14], [sflag:$0x1], $0x10, s20, s13, $0xb8;
	[tilespmem:$0x5F80] =	vst v63  }
0x34: {  	_ =	swait.ge [sflag:s16], $0x800  }
0x35: {  	s19 =	simm.s32 $0x4F;
	[sflag:s16] =	ssyncset.done $0x0  }
.LBB2_6:
0x36: {  	p0 =	sne.s32 s19, $0x1;
	s19 =	sadd.s32 $0xFFFFFFFF, s19;
	[sflag:s16] =	ssyncadd.s32 $0xFFFFF800  }
.Ltmp2:
0x37: {  	(pc) =	sbr.rel @p0 .LBB2_6-.Ltmp2, $3  }
0x38: {  	_ =	sdelay $0x1  }
0x39: {  	_ =	swait.ge [sflag:s16], $0x800  }
0x3a: {  	[sflag:s16] =	ssyncset.done $0x0  }
0x3b: {  	s3 =	sadd.s32 $0x1, s3  }
0x3c: {  	[sflag:s16] =	ssyncadd.s32 $0xFFFFF800;
	p0 =	sne.s32 s3, s7  }
.Ltmp3:
0x3d: {  	[bflag:$0x0] =	sbarrier.arrive $0xFFFF;
	(pc) =	sbr.rel @p0 .LBB2_1-.Ltmp3, $4  }
0x3e: {  	[hbm:s15], [sflag:s17] =	dma.local [spmem:s18], $0x4F0  }
0x3f: {  	_ =	swait.ge [sflag:s12], $0x4F0  }
0x40: {  	[sflag:s12] =	ssyncset.done $0x0  }
0x41: {  	[sflag:s12] =	ssyncadd.s32 $0xFFFFFB10  }
0x42: {  	_ =	sfence.sel $0x180000  }
0x43: {  	[bflag:$0x0] =	sbarrier.arrive $0xFFFF  }
0x44: {  	p0 =	sne.s32 s0, $0x0;
	_ =	strace $0x90000047  }
0x45: {  	s0 =	sadd.s32 @!p0 $0x100000, s1;
	[bflag:$0x2] =	sbarrier.arrive $0xFFFF  }
0x46: {  	[sflag:s0] =	ssyncadd.tile.s32 @!p0 $0x1;
	_ =	shalt  }
.Lfunc_end2:
_tile_overlayer_lowered:
.L_overlay_start_2:
0x47: {  	(tag) =	ssettag $0x2  }
0x48: {  	s0 =	rddreg [dreg:$0x0];
	s2 =	stileid.u32  }
0x49: {  	s1 =	rddreg [dreg:$0x1];
	p0 =	sne.s32 s2, $0x0  }
0x4a: {  	s3 =	rddreg [dreg:$0x2];
	[bflag:$0x3] =	sbarrier.arrive $0xFFFF;
	s2 =	simm.s32 @!p0 $0x1C02  }
0x4b: {  	[timem:s3], [sflag:s2] =	dma.local @!p0 [hbm:s0], s1  }
0x4c: {  	s0 =	simm.s32 @!p0 $0x2  }
0x4d: {  	_ =	swait.ge @!p0 [sflag:s0], s1  }
0x4e: {  	s1 =	ssub.s32 @!p0 $0x0, s1;
	[sflag:s0] =	ssyncset.done @!p0 $0x0  }
0x4f: {  	[sflag:s0] =	ssyncadd.s32 @!p0 s1  }
0x50: {  	[bflag:$0x3] =	sbarrier.arrive $0xFFFF  }
0x51: {  	_ =	shalt  }

</sc_bundles>
